<compile_context>
chip_gen: v7x
topology: tpu7x:2x2x1
jax: 0.10.2.dev20260603
libtpu: 0.0.44.dev20260713+nightly
codegen_flags: <defaults>
</compile_context>

<pallas_src>
import functools

import jax
import jax.numpy as jnp
from jax import lax
from jax.experimental import pallas as pl
from jax.experimental.pallas import tpu as pltpu
from jax.experimental.pallas import tpu_sc as plsc

B, L, V, C = 32, 8192, 16, 4
LANES = 16
NC = 2
NCH = 4
CHUNK = L // NCH


def _one_hot4_sc(input_ids, id2chan):
    mesh = plsc.VectorSubcoreMesh(core_axis_name="c", subcore_axis_name="s")

    @functools.partial(
        pl.kernel,
        mesh=mesh,
        out_type=jax.ShapeDtypeStruct((B, C, L), jnp.float32),
        scratch_types=[
            pltpu.VMEM((L,), jnp.int32),
            pltpu.VMEM((C, L), jnp.float32),
            pltpu.VMEM((V,), jnp.int32),
            pltpu.VMEM((2 * LANES,), jnp.int32),
            pltpu.SemaphoreType.DMA,
            pltpu.SemaphoreType.DMA,
            pltpu.SemaphoreType.DMA,
        ],
    )
    def k(ids_hbm, tab_hbm, out_hbm, ids_v, out_v, tab_v, red_v, sem, tsem, isem):
        wid = lax.axis_index("s") * NC + lax.axis_index("c")
        tab_cp = pltpu.async_copy(tab_hbm, tab_v, tsem)
        ids_cp = pltpu.async_copy(ids_hbm.at[wid], ids_v, isem)
        tab_cp.wait()

        tab = tab_v[...]
        bit = jnp.left_shift(jnp.int32(1), lax.iota(jnp.int32, LANES))
        zero = jnp.zeros((LANES,), jnp.int32)

        def allreduce_or(x):
            for sh in (1, 2, 4, 8):
                red_v[pl.ds(0, LANES)] = x
                red_v[pl.ds(LANES, LANES)] = x
                x = jnp.bitwise_or(x, red_v[pl.ds(sh, LANES)])
            return x

        packed = []
        for c in (0, 2):
            lo = jnp.where(tab == c, bit, zero)
            hi = jnp.where(tab == c + 1, jnp.left_shift(bit, 16), zero)
            packed.append(allreduce_or(jnp.bitwise_or(lo, hi)))
        halfmask = jnp.full((LANES,), 0xFFFF, jnp.int32)
        mvec = [
            jnp.bitwise_and(packed[0], halfmask),
            jnp.bitwise_and(jnp.right_shift(packed[0], 16), halfmask),
            jnp.bitwise_and(packed[1], halfmask),
            jnp.bitwise_and(jnp.right_shift(packed[1], 16), halfmask),
        ]

        ids_cp.wait()

        def chunk_body(j, carry):
            base = j * CHUNK

            @plsc.parallel_loop(0, CHUNK, step=LANES, unroll=16)
            def body(i):
                ids = ids_v[pl.ds(base + i, LANES)]
                for c in range(C):
                    hit = jnp.bitwise_and(jnp.right_shift(mvec[c], ids), 1)
                    out_v[c, pl.ds(base + i, LANES)] = hit.astype(jnp.float32)

            pltpu.async_copy(
                out_v.at[:, pl.ds(base, CHUNK)],
                out_hbm.at[wid, :, pl.ds(base, CHUNK)],
                sem,
            )
            return carry

        lax.fori_loop(0, NCH, chunk_body, 0)
        for _ in range(NCH):
            pltpu.make_async_copy(
                out_v.at[:, pl.ds(0, CHUNK)],
                out_hbm.at[wid, :, pl.ds(0, CHUNK)],
                sem,
            ).wait()

    return k(input_ids, id2chan)


def kernel(input_ids, id2chan):
    return _one_hot4_sc(input_ids, id2chan.astype(jnp.int32))

# --- scband reference (transcript-rebuilt; emitter-appended) ---
"""Pipeline reference for scband-token-ids-to-one-hot4-14345190769077 (READ-ONLY COPY).

The authoritative reference and input builder live on the scoring server;
editing this copy changes nothing except your own understanding.
"""

import jax, jax.numpy as jnp
import numpy as np

VOCAB_SIZE = 16
B, L = 32, 8192

def _build_id2chan():
    # Character-level DNA tokenizer vocab: A=7, C=8, G=9, T=10 (and lowercase 11-14).
    # All other ids (pads, specials, N) map to -1 -> all-zero one-hot column.
    m = np.full((VOCAB_SIZE,), -1, dtype=np.int32)
    m[7] = 0   # A
    m[8] = 1   # C
    m[9] = 2   # G
    m[10] = 3  # T
    m[11] = 0  # a
    m[12] = 1  # c
    m[13] = 2  # g
    m[14] = 3  # t
    return jnp.asarray(m)

def setup_inputs(seed: int = 0) -> dict:
    key = jax.random.key(seed)
    input_ids = jax.random.randint(key, (B, L), 0, VOCAB_SIZE, dtype=jnp.int32)
    id2chan = _build_id2chan()
    return {"input_ids": input_ids, "id2chan": id2chan}

def reference(input_ids, id2chan):
    # idx = vocab_to_channel[input_ids]  (gather)
    idx = jnp.take(id2chan, input_ids, axis=0)
    # clamp(min=-1) is a no-op since table values are in {-1,0,1,2,3};
    # unknown (-1) -> class 4 which is later sliced away -> zero column
    idx_clamped = jnp.maximum(idx, -1)
    idx_clamped = jnp.where(idx_clamped < 0, jnp.full_like(idx_clamped, 4), idx_clamped)
    one_hot5 = jax.nn.one_hot(idx_clamped, 5, dtype=jnp.float32)  # [B, L, 5]
    x = jnp.transpose(one_hot5[..., :4], (0, 2, 1))  # [B, 4, L]
    return x

if __name__ == "__main__":
    import jax
    _d = setup_inputs()
    print(jax.jit(kernel)(*tuple(_d.values())))

</pallas_src>

<mosaic_0001>
#map = affine_map<(d0, d1) -> (0, 0)>
#map1 = affine_map<(d0, d1) -> (0)>
#map2 = affine_map<(d0, d1) -> (0, 0, 0)>
module attributes {stable_mosaic.version = 14 : i64} {
  func.func @k(%arg0: i32, %arg1: i32, %arg2: memref<32x8192xi32, #tpu.memory_space<hbm>>, %arg3: memref<16xi32, #tpu.memory_space<hbm>>, %arg4: memref<32x4x8192xf32, #tpu.memory_space<hbm>>, %arg5: memref<8192xi32, #tpu.memory_space<vmem>>, %arg6: memref<4x8192xf32, #tpu.memory_space<vmem>>, %arg7: memref<16xi32, #tpu.memory_space<vmem>>, %arg8: memref<32xi32, #tpu.memory_space<vmem>>, %arg9: memref<!tpu.dma_semaphore, #tpu.memory_space<semaphore_mem>>, %arg10: memref<!tpu.dma_semaphore, #tpu.memory_space<semaphore_mem>>, %arg11: memref<!tpu.dma_semaphore, #tpu.memory_space<semaphore_mem>>) attributes {dimension_semantics = [#tpu.dimension_semantics<core_parallel>, #tpu.dimension_semantics<subcore_parallel>], iteration_bounds = array<i64: 2, 16>, scalar_prefetch = 0 : i64, scratch_operands = 7 : i64, tpu.core_type = #tpu.core_type<sc_vector_subcore>, window_params = [{transform_indices = #map}, {transform_indices = #map1}, {transform_indices = #map2}]} {
    %mul3A = arith.constant 2 : i32
    %mul3A_0 = arith.muli %arg1, %mul3A : i32
    %add3A = arith.addi %mul3A_0, %arg0 : i32
    tpu.enqueue_dma source(%arg3 : memref<16xi32, #tpu.memory_space<hbm>>) target(%arg7 : memref<16xi32, #tpu.memory_space<vmem>>) target_semaphore(%arg10 : memref<!tpu.dma_semaphore, #tpu.memory_space<semaphore_mem>>)
    %dma_start3A = arith.constant 0 : i32
    %dma_start3A_1 = tpu.memref_slice %arg2[%add3A, %dma_start3A] : memref<32x8192xi32, #tpu.memory_space<hbm>> -> memref<1x8192xi32, #tpu.memory_space<hbm>>
    %dma_start3A_2 = tpu.memref_squeeze %dma_start3A_1 : memref<1x8192xi32, #tpu.memory_space<hbm>> -> memref<8192xi32, #tpu.memory_space<hbm>>
    %dma_start3A_3 = arith.constant 0 : i32
    %dma_start3A_4 = tpu.memref_slice %arg2[%add3A, %dma_start3A_3] : memref<32x8192xi32, #tpu.memory_space<hbm>> -> memref<1x8192xi32, #tpu.memory_space<hbm>>
    %dma_start3A_5 = tpu.memref_squeeze %dma_start3A_4 : memref<1x8192xi32, #tpu.memory_space<hbm>> -> memref<8192xi32, #tpu.memory_space<hbm>>
    tpu.enqueue_dma source(%dma_start3A_5 : memref<8192xi32, #tpu.memory_space<hbm>>) target(%arg5 : memref<8192xi32, #tpu.memory_space<vmem>>) target_semaphore(%arg11 : memref<!tpu.dma_semaphore, #tpu.memory_space<semaphore_mem>>)
    tpu.wait_dma2 semaphore(%arg10 : memref<!tpu.dma_semaphore, #tpu.memory_space<semaphore_mem>>) src(%arg3 : memref<16xi32, #tpu.memory_space<hbm>>) dst(%arg7 : memref<16xi32, #tpu.memory_space<vmem>>)
    %get3A = arith.constant 0 : index
    %get3A_6 = tpu.vector_load %arg7[%get3A] {strides = array<i32>} : memref<16xi32, #tpu.memory_space<vmem>>, vector<16xi32>,
    %get3A_7 = vector.shape_cast %get3A_6 : vector<16xi32> to vector<16xi32>
    %iota3A = tpu.iota {dimensions = array<i32: 0>} : vector<16xi32>
    %shift_left3A = arith.constant 1 : i32
    %shift_left3A_8 = vector.broadcast %shift_left3A : i32 to vector<16xi32>
    %shift_left3A_9 = arith.shli %shift_left3A_8, %iota3A : vector<16xi32>
    %broadcast_in_dim3A = arith.constant 0 : i32
    %broadcast_in_dim3A_10 = vector.broadcast %broadcast_in_dim3A : i32 to vector<16xi32>
    %eq3A = arith.constant 0 : i32
    %eq3A_11 = vector.broadcast %eq3A : i32 to vector<16xi32>
    %eq3A_12 = arith.cmpi eq, %get3A_7, %eq3A_11 : vector<16xi32>
    %select_n3A = arith.select %eq3A_12, %shift_left3A_9, %broadcast_in_dim3A_10 : vector<16xi1>, vector<16xi32>
    %eq3A_13 = arith.constant 1 : i32
    %eq3A_14 = vector.broadcast %eq3A_13 : i32 to vector<16xi32>
    %eq3A_15 = arith.cmpi eq, %get3A_7, %eq3A_14 : vector<16xi32>
    %shift_left3A_16 = arith.constant 16 : i32
    %shift_left3A_17 = vector.broadcast %shift_left3A_16 : i32 to vector<16xi32>
    %shift_left3A_18 = arith.shli %shift_left3A_9, %shift_left3A_17 : vector<16xi32>
    %select_n3A_19 = arith.select %eq3A_15, %shift_left3A_18, %broadcast_in_dim3A_10 : vector<16xi1>, vector<16xi32>
    %or3A = arith.ori %select_n3A, %select_n3A_19 : vector<16xi32>
    %swap3A = arith.constant 0 : index
    %swap3A_20 = tpu.vector_load %arg8[%swap3A] {strides = array<i32>} : memref<32xi32, #tpu.memory_space<vmem>>, vector<16xi32>,
    %swap3A_21 = vector.shape_cast %swap3A_20 : vector<16xi32> to vector<16xi32>
    %swap3A_22 = vector.shape_cast %or3A : vector<16xi32> to vector<16xi32>
    tpu.vector_store %arg8[%swap3A], %swap3A_22 {strides = array<i32>} : memref<32xi32, #tpu.memory_space<vmem>>, vector<16xi32>,
    %swap3A_23 = arith.constant 16 : index
    %swap3A_24 = tpu.vector_load %arg8[%swap3A_23] {strides = array<i32>} : memref<32xi32, #tpu.memory_space<vmem>>, vector<16xi32>,
    %swap3A_25 = vector.shape_cast %swap3A_24 : vector<16xi32> to vector<16xi32>
    %swap3A_26 = vector.shape_cast %or3A : vector<16xi32> to vector<16xi32>
    tpu.vector_store %arg8[%swap3A_23], %swap3A_26 {strides = array<i32>} : memref<32xi32, #tpu.memory_space<vmem>>, vector<16xi32>,
    %get3A_27 = arith.constant 1 : index
    %get3A_28 = tpu.vector_load %arg8[%get3A_27] {strides = array<i32>} : memref<32xi32, #tpu.memory_space<vmem>>, vector<16xi32>,
    %get3A_29 = vector.shape_cast %get3A_28 : vector<16xi32> to vector<16xi32>
    %or3A_30 = arith.ori %or3A, %get3A_29 : vector<16xi32>
    %swap3A_31 = arith.constant 0 : index
    %swap3A_32 = tpu.vector_load %arg8[%swap3A_31] {strides = array<i32>} : memref<32xi32, #tpu.memory_space<vmem>>, vector<16xi32>,
    %swap3A_33 = vector.shape_cast %swap3A_32 : vector<16xi32> to vector<16xi32>
    %swap3A_34 = vector.shape_cast %or3A_30 : vector<16xi32> to vector<16xi32>
    tpu.vector_store %arg8[%swap3A_31], %swap3A_34 {strides = array<i32>} : memref<32xi32, #tpu.memory_space<vmem>>, vector<16xi32>,
    %swap3A_35 = arith.constant 16 : index
    %swap3A_36 = tpu.vector_load %arg8[%swap3A_35] {strides = array<i32>} : memref<32xi32, #tpu.memory_space<vmem>>, vector<16xi32>,
    %swap3A_37 = vector.shape_cast %swap3A_36 : vector<16xi32> to vector<16xi32>
    %swap3A_38 = vector.shape_cast %or3A_30 : vector<16xi32> to vector<16xi32>
    tpu.vector_store %arg8[%swap3A_35], %swap3A_38 {strides = array<i32>} : memref<32xi32, #tpu.memory_space<vmem>>, vector<16xi32>,
    %get3A_39 = arith.constant 2 : index
    %get3A_40 = tpu.vector_load %arg8[%get3A_39] {strides = array<i32>} : memref<32xi32, #tpu.memory_space<vmem>>, vector<16xi32>,
    %get3A_41 = vector.shape_cast %get3A_40 : vector<16xi32> to vector<16xi32>
    %or3A_42 = arith.ori %or3A_30, %get3A_41 : vector<16xi32>
    %swap3A_43 = arith.constant 0 : index
    %swap3A_44 = tpu.vector_load %arg8[%swap3A_43] {strides = array<i32>} : memref<32xi32, #tpu.memory_space<vmem>>, vector<16xi32>,
    %swap3A_45 = vector.shape_cast %swap3A_44 : vector<16xi32> to vector<16xi32>
    %swap3A_46 = vector.shape_cast %or3A_42 : vector<16xi32> to vector<16xi32>
    tpu.vector_store %arg8[%swap3A_43], %swap3A_46 {strides = array<i32>} : memref<32xi32, #tpu.memory_space<vmem>>, vector<16xi32>,
    %swap3A_47 = arith.constant 16 : index
    %swap3A_48 = tpu.vector_load %arg8[%swap3A_47] {strides = array<i32>} : memref<32xi32, #tpu.memory_space<vmem>>, vector<16xi32>,
    %swap3A_49 = vector.shape_cast %swap3A_48 : vector<16xi32> to vector<16xi32>
    %swap3A_50 = vector.shape_cast %or3A_42 : vector<16xi32> to vector<16xi32>
    tpu.vector_store %arg8[%swap3A_47], %swap3A_50 {strides = array<i32>} : memref<32xi32, #tpu.memory_space<vmem>>, vector<16xi32>,
    %get3A_51 = arith.constant 4 : index
    %get3A_52 = tpu.vector_load %arg8[%get3A_51] {strides = array<i32>} : memref<32xi32, #tpu.memory_space<vmem>>, vector<16xi32>,
    %get3A_53 = vector.shape_cast %get3A_52 : vector<16xi32> to vector<16xi32>
    %or3A_54 = arith.ori %or3A_42, %get3A_53 : vector<16xi32>
    %swap3A_55 = arith.constant 0 : index
    %swap3A_56 = tpu.vector_load %arg8[%swap3A_55] {strides = array<i32>} : memref<32xi32, #tpu.memory_space<vmem>>, vector<16xi32>,
    %swap3A_57 = vector.shape_cast %swap3A_56 : vector<16xi32> to vector<16xi32>
    %swap3A_58 = vector.shape_cast %or3A_54 : vector<16xi32> to vector<16xi32>
    tpu.vector_store %arg8[%swap3A_55], %swap3A_58 {strides = array<i32>} : memref<32xi32, #tpu.memory_space<vmem>>, vector<16xi32>,
    %swap3A_59 = arith.constant 16 : index
    %swap3A_60 = tpu.vector_load %arg8[%swap3A_59] {strides = array<i32>} : memref<32xi32, #tpu.memory_space<vmem>>, vector<16xi32>,
    %swap3A_61 = vector.shape_cast %swap3A_60 : vector<16xi32> to vector<16xi32>
    %swap3A_62 = vector.shape_cast %or3A_54 : vector<16xi32> to vector<16xi32>
    tpu.vector_store %arg8[%swap3A_59], %swap3A_62 {strides = array<i32>} : memref<32xi32, #tpu.memory_space<vmem>>, vector<16xi32>,
    %get3A_63 = arith.constant 8 : index
    %get3A_64 = tpu.vector_load %arg8[%get3A_63] {strides = array<i32>} : memref<32xi32, #tpu.memory_space<vmem>>, vector<16xi32>,
    %get3A_65 = vector.shape_cast %get3A_64 : vector<16xi32> to vector<16xi32>
    %or3A_66 = arith.ori %or3A_54, %get3A_65 : vector<16xi32>
    %eq3A_67 = arith.constant 2 : i32
    %eq3A_68 = vector.broadcast %eq3A_67 : i32 to vector<16xi32>
    %eq3A_69 = arith.cmpi eq, %get3A_7, %eq3A_68 : vector<16xi32>
    %select_n3A_70 = arith.select %eq3A_69, %shift_left3A_9, %broadcast_in_dim3A_10 : vector<16xi1>, vector<16xi32>
    %eq3A_71 = arith.constant 3 : i32
    %eq3A_72 = vector.broadcast %eq3A_71 : i32 to vector<16xi32>
    %eq3A_73 = arith.cmpi eq, %get3A_7, %eq3A_72 : vector<16xi32>
    %shift_left3A_74 = arith.constant 16 : i32
    %shift_left3A_75 = vector.broadcast %shift_left3A_74 : i32 to vector<16xi32>
    %shift_left3A_76 = arith.shli %shift_left3A_9, %shift_left3A_75 : vector<16xi32>
    %select_n3A_77 = arith.select %eq3A_73, %shift_left3A_76, %broadcast_in_dim3A_10 : vector<16xi1>, vector<16xi32>
    %or3A_78 = arith.ori %select_n3A_70, %select_n3A_77 : vector<16xi32>
    %swap3A_79 = arith.constant 0 : index
    %swap3A_80 = tpu.vector_load %arg8[%swap3A_79] {strides = array<i32>} : memref<32xi32, #tpu.memory_space<vmem>>, vector<16xi32>,
    %swap3A_81 = vector.shape_cast %swap3A_80 : vector<16xi32> to vector<16xi32>
    %swap3A_82 = vector.shape_cast %or3A_78 : vector<16xi32> to vector<16xi32>
    tpu.vector_store %arg8[%swap3A_79], %swap3A_82 {strides = array<i32>} : memref<32xi32, #tpu.memory_space<vmem>>, vector<16xi32>,
    %swap3A_83 = arith.constant 16 : index
    %swap3A_84 = tpu.vector_load %arg8[%swap3A_83] {strides = array<i32>} : memref<32xi32, #tpu.memory_space<vmem>>, vector<16xi32>,
    %swap3A_85 = vector.shape_cast %swap3A_84 : vector<16xi32> to vector<16xi32>
    %swap3A_86 = vector.shape_cast %or3A_78 : vector<16xi32> to vector<16xi32>
    tpu.vector_store %arg8[%swap3A_83], %swap3A_86 {strides = array<i32>} : memref<32xi32, #tpu.memory_space<vmem>>, vector<16xi32>,
    %get3A_87 = arith.constant 1 : index
    %get3A_88 = tpu.vector_load %arg8[%get3A_87] {strides = array<i32>} : memref<32xi32, #tpu.memory_space<vmem>>, vector<16xi32>,
    %get3A_89 = vector.shape_cast %get3A_88 : vector<16xi32> to vector<16xi32>
    %or3A_90 = arith.ori %or3A_78, %get3A_89 : vector<16xi32>
    %swap3A_91 = arith.constant 0 : index
    %swap3A_92 = tpu.vector_load %arg8[%swap3A_91] {strides = array<i32>} : memref<32xi32, #tpu.memory_space<vmem>>, vector<16xi32>,
    %swap3A_93 = vector.shape_cast %swap3A_92 : vector<16xi32> to vector<16xi32>
    %swap3A_94 = vector.shape_cast %or3A_90 : vector<16xi32> to vector<16xi32>
    tpu.vector_store %arg8[%swap3A_91], %swap3A_94 {strides = array<i32>} : memref<32xi32, #tpu.memory_space<vmem>>, vector<16xi32>,
    %swap3A_95 = arith.constant 16 : index
    %swap3A_96 = tpu.vector_load %arg8[%swap3A_95] {strides = array<i32>} : memref<32xi32, #tpu.memory_space<vmem>>, vector<16xi32>,
    %swap3A_97 = vector.shape_cast %swap3A_96 : vector<16xi32> to vector<16xi32>
    %swap3A_98 = vector.shape_cast %or3A_90 : vector<16xi32> to vector<16xi32>
    tpu.vector_store %arg8[%swap3A_95], %swap3A_98 {strides = array<i32>} : memref<32xi32, #tpu.memory_space<vmem>>, vector<16xi32>,
    %get3A_99 = arith.constant 2 : index
    %get3A_100 = tpu.vector_load %arg8[%get3A_99] {strides = array<i32>} : memref<32xi32, #tpu.memory_space<vmem>>, vector<16xi32>,
    %get3A_101 = vector.shape_cast %get3A_100 : vector<16xi32> to vector<16xi32>
    %or3A_102 = arith.ori %or3A_90, %get3A_101 : vector<16xi32>
    %swap3A_103 = arith.constant 0 : index
    %swap3A_104 = tpu.vector_load %arg8[%swap3A_103] {strides = array<i32>} : memref<32xi32, #tpu.memory_space<vmem>>, vector<16xi32>,
    %swap3A_105 = vector.shape_cast %swap3A_104 : vector<16xi32> to vector<16xi32>
    %swap3A_106 = vector.shape_cast %or3A_102 : vector<16xi32> to vector<16xi32>
    tpu.vector_store %arg8[%swap3A_103], %swap3A_106 {strides = array<i32>} : memref<32xi32, #tpu.memory_space<vmem>>, vector<16xi32>,
    %swap3A_107 = arith.constant 16 : index
    %swap3A_108 = tpu.vector_load %arg8[%swap3A_107] {strides = array<i32>} : memref<32xi32, #tpu.memory_space<vmem>>, vector<16xi32>,
    %swap3A_109 = vector.shape_cast %swap3A_108 : vector<16xi32> to vector<16xi32>
    %swap3A_110 = vector.shape_cast %or3A_102 : vector<16xi32> to vector<16xi32>
    tpu.vector_store %arg8[%swap3A_107], %swap3A_110 {strides = array<i32>} : memref<32xi32, #tpu.memory_space<vmem>>, vector<16xi32>,
    %get3A_111 = arith.constant 4 : index
    %get3A_112 = tpu.vector_load %arg8[%get3A_111] {strides = array<i32>} : memref<32xi32, #tpu.memory_space<vmem>>, vector<16xi32>,
    %get3A_113 = vector.shape_cast %get3A_112 : vector<16xi32> to vector<16xi32>
    %or3A_114 = arith.ori %or3A_102, %get3A_113 : vector<16xi32>
    %swap3A_115 = arith.constant 0 : index
    %swap3A_116 = tpu.vector_load %arg8[%swap3A_115] {strides = array<i32>} : memref<32xi32, #tpu.memory_space<vmem>>, vector<16xi32>,
    %swap3A_117 = vector.shape_cast %swap3A_116 : vector<16xi32> to vector<16xi32>
    %swap3A_118 = vector.shape_cast %or3A_114 : vector<16xi32> to vector<16xi32>
    tpu.vector_store %arg8[%swap3A_115], %swap3A_118 {strides = array<i32>} : memref<32xi32, #tpu.memory_space<vmem>>, vector<16xi32>,
    %swap3A_119 = arith.constant 16 : index
    %swap3A_120 = tpu.vector_load %arg8[%swap3A_119] {strides = array<i32>} : memref<32xi32, #tpu.memory_space<vmem>>, vector<16xi32>,
    %swap3A_121 = vector.shape_cast %swap3A_120 : vector<16xi32> to vector<16xi32>
    %swap3A_122 = vector.shape_cast %or3A_114 : vector<16xi32> to vector<16xi32>
    tpu.vector_store %arg8[%swap3A_119], %swap3A_122 {strides = array<i32>} : memref<32xi32, #tpu.memory_space<vmem>>, vector<16xi32>,
    %get3A_123 = arith.constant 8 : index
    %get3A_124 = tpu.vector_load %arg8[%get3A_123] {strides = array<i32>} : memref<32xi32, #tpu.memory_space<vmem>>, vector<16xi32>,
    %get3A_125 = vector.shape_cast %get3A_124 : vector<16xi32> to vector<16xi32>
    %or3A_126 = arith.ori %or3A_114, %get3A_125 : vector<16xi32>
    %broadcast_in_dim3A_127 = arith.constant 65535 : i32
    %broadcast_in_dim3A_128 = vector.broadcast %broadcast_in_dim3A_127 : i32 to vector<16xi32>
    %and3A = arith.andi %or3A_66, %broadcast_in_dim3A_128 : vector<16xi32>
    %shift_right_arithmetic3A = arith.constant 16 : i32
    %shift_right_arithmetic3A_129 = vector.broadcast %shift_right_arithmetic3A : i32 to vector<16xi32>
    %shift_right_arithmetic3A_130 = arith.shrsi %or3A_66, %shift_right_arithmetic3A_129 : vector<16xi32>
    %and3A_131 = arith.andi %shift_right_arithmetic3A_130, %broadcast_in_dim3A_128 : vector<16xi32>
    %and3A_132 = arith.andi %or3A_126, %broadcast_in_dim3A_128 : vector<16xi32>
    %shift_right_arithmetic3A_133 = arith.constant 16 : i32
    %shift_right_arithmetic3A_134 = vector.broadcast %shift_right_arithmetic3A_133 : i32 to vector<16xi32>
    %shift_right_arithmetic3A_135 = arith.shrsi %or3A_126, %shift_right_arithmetic3A_134 : vector<16xi32>
    %and3A_136 = arith.andi %shift_right_arithmetic3A_135, %broadcast_in_dim3A_128 : vector<16xi32>
    %dma_wait3A = arith.constant 0 : i32
    %dma_wait3A_137 = tpu.memref_slice %arg2[%add3A, %dma_wait3A] : memref<32x8192xi32, #tpu.memory_space<hbm>> -> memref<1x8192xi32, #tpu.memory_space<hbm>>
    %dma_wait3A_138 = tpu.memref_squeeze %dma_wait3A_137 : memref<1x8192xi32, #tpu.memory_space<hbm>> -> memref<8192xi32, #tpu.memory_space<hbm>>
    %dma_wait3A_139 = arith.constant 0 : i32
    %dma_wait3A_140 = tpu.memref_slice %arg2[%add3A, %dma_wait3A_139] : memref<32x8192xi32, #tpu.memory_space<hbm>> -> memref<1x8192xi32, #tpu.memory_space<hbm>>
    %dma_wait3A_141 = tpu.memref_squeeze %dma_wait3A_140 : memref<1x8192xi32, #tpu.memory_space<hbm>> -> memref<8192xi32, #tpu.memory_space<hbm>>
    tpu.wait_dma2 semaphore(%arg11 : memref<!tpu.dma_semaphore, #tpu.memory_space<semaphore_mem>>) src(%dma_wait3A_141 : memref<8192xi32, #tpu.memory_space<hbm>>) dst(%arg5 : memref<8192xi32, #tpu.memory_space<vmem>>)
    %scan3A = arith.constant 0 : i32
    %scan3A_142 = arith.constant 0 : i32
    %scan3A_143 = arith.constant 4 : i32
    %scan3A_144 = arith.addi %scan3A_142, %scan3A_143 : i32
    %scan3A_145 = arith.constant 1 : i32
    scf.for %scan3A_203 = %scan3A_142 to %scan3A_144 step %scan3A_145  : i32 {
      %mul3A_204 = arith.constant 2048 : i32
      %mul3A_205 = arith.muli %scan3A_203, %mul3A_204 : i32
      %parallel_loop3A = arith.constant 0 : i32
      %parallel_loop3A_206 = arith.constant 2048 : i32
      %parallel_loop3A_207 = arith.constant 16 : i32
      scf.for %parallel_loop3A_218 = %parallel_loop3A to %parallel_loop3A_206 step %parallel_loop3A_207  : i32 {
        %parallel_loop3A_219 = arith.addi %mul3A_205, %parallel_loop3A_218 : i32
        %parallel_loop3A_220 = arith.index_cast %parallel_loop3A_219 : i32 to index
        %parallel_loop3A_221 = tpu.vector_load %arg5[%parallel_loop3A_220] {strides = array<i32>} : memref<8192xi32, #tpu.memory_space<vmem>>, vector<16xi32>,
        %parallel_loop3A_222 = vector.shape_cast %parallel_loop3A_221 : vector<16xi32> to vector<16xi32>
        %parallel_loop3A_223 = arith.shrsi %and3A, %parallel_loop3A_222 : vector<16xi32>
        %parallel_loop3A_224 = arith.constant 1 : i32
        %parallel_loop3A_225 = vector.broadcast %parallel_loop3A_224 : i32 to vector<16xi32>
        %parallel_loop3A_226 = arith.andi %parallel_loop3A_223, %parallel_loop3A_225 : vector<16xi32>
        %parallel_loop3A_227 = arith.sitofp %parallel_loop3A_226 : vector<16xi32> to vector<16xf32>
        %parallel_loop3A_228 = arith.addi %mul3A_205, %parallel_loop3A_218 : i32
        %parallel_loop3A_229 = arith.constant 0 : i32
        %parallel_loop3A_230 = arith.index_cast %parallel_loop3A_229 : i32 to index
        %parallel_loop3A_231 = arith.index_cast %parallel_loop3A_228 : i32 to index
        %parallel_loop3A_232 = tpu.vector_load %arg6[%parallel_loop3A_230, %parallel_loop3A_231] {strides = array<i32>} : memref<4x8192xf32, #tpu.memory_space<vmem>>, vector<1x16xf32>,
        %parallel_loop3A_233 = vector.shape_cast %parallel_loop3A_232 : vector<1x16xf32> to vector<16xf32>
        %parallel_loop3A_234 = vector.shape_cast %parallel_loop3A_227 : vector<16xf32> to vector<1x16xf32>
        tpu.vector_store %arg6[%parallel_loop3A_230, %parallel_loop3A_231], %parallel_loop3A_234 {strides = array<i32>} : memref<4x8192xf32, #tpu.memory_space<vmem>>, vector<1x16xf32>,
        %parallel_loop3A_235 = arith.shrsi %and3A_131, %parallel_loop3A_222 : vector<16xi32>
        %parallel_loop3A_236 = arith.constant 1 : i32
        %parallel_loop3A_237 = vector.broadcast %parallel_loop3A_236 : i32 to vector<16xi32>
        %parallel_loop3A_238 = arith.andi %parallel_loop3A_235, %parallel_loop3A_237 : vector<16xi32>
        %parallel_loop3A_239 = arith.sitofp %parallel_loop3A_238 : vector<16xi32> to vector<16xf32>
        %parallel_loop3A_240 = arith.addi %mul3A_205, %parallel_loop3A_218 : i32
        %parallel_loop3A_241 = arith.constant 1 : i32
        %parallel_loop3A_242 = arith.index_cast %parallel_loop3A_241 : i32 to index
        %parallel_loop3A_243 = arith.index_cast %parallel_loop3A_240 : i32 to index
        %parallel_loop3A_244 = tpu.vector_load %arg6[%parallel_loop3A_242, %parallel_loop3A_243] {strides = array<i32>} : memref<4x8192xf32, #tpu.memory_space<vmem>>, vector<1x16xf32>,
        %parallel_loop3A_245 = vector.shape_cast %parallel_loop3A_244 : vector<1x16xf32> to vector<16xf32>
        %parallel_loop3A_246 = vector.shape_cast %parallel_loop3A_239 : vector<16xf32> to vector<1x16xf32>
        tpu.vector_store %arg6[%parallel_loop3A_242, %parallel_loop3A_243], %parallel_loop3A_246 {strides = array<i32>} : memref<4x8192xf32, #tpu.memory_space<vmem>>, vector<1x16xf32>,
        %parallel_loop3A_247 = arith.shrsi %and3A_132, %parallel_loop3A_222 : vector<16xi32>
        %parallel_loop3A_248 = arith.constant 1 : i32
        %parallel_loop3A_249 = vector.broadcast %parallel_loop3A_248 : i32 to vector<16xi32>
        %parallel_loop3A_250 = arith.andi %parallel_loop3A_247, %parallel_loop3A_249 : vector<16xi32>
        %parallel_loop3A_251 = arith.sitofp %parallel_loop3A_250 : vector<16xi32> to vector<16xf32>
        %parallel_loop3A_252 = arith.addi %mul3A_205, %parallel_loop3A_218 : i32
        %parallel_loop3A_253 = arith.constant 2 : i32
        %parallel_loop3A_254 = arith.index_cast %parallel_loop3A_253 : i32 to index
        %parallel_loop3A_255 = arith.index_cast %parallel_loop3A_252 : i32 to index
        %parallel_loop3A_256 = tpu.vector_load %arg6[%parallel_loop3A_254, %parallel_loop3A_255] {strides = array<i32>} : memref<4x8192xf32, #tpu.memory_space<vmem>>, vector<1x16xf32>,
        %parallel_loop3A_257 = vector.shape_cast %parallel_loop3A_256 : vector<1x16xf32> to vector<16xf32>
        %parallel_loop3A_258 = vector.shape_cast %parallel_loop3A_251 : vector<16xf32> to vector<1x16xf32>
        tpu.vector_store %arg6[%parallel_loop3A_254, %parallel_loop3A_255], %parallel_loop3A_258 {strides = array<i32>} : memref<4x8192xf32, #tpu.memory_space<vmem>>, vector<1x16xf32>,
        %parallel_loop3A_259 = arith.shrsi %and3A_136, %parallel_loop3A_222 : vector<16xi32>
        %parallel_loop3A_260 = arith.constant 1 : i32
        %parallel_loop3A_261 = vector.broadcast %parallel_loop3A_260 : i32 to vector<16xi32>
        %parallel_loop3A_262 = arith.andi %parallel_loop3A_259, %parallel_loop3A_261 : vector<16xi32>
        %parallel_loop3A_263 = arith.sitofp %parallel_loop3A_262 : vector<16xi32> to vector<16xf32>
        %parallel_loop3A_264 = arith.addi %mul3A_205, %parallel_loop3A_218 : i32
        %parallel_loop3A_265 = arith.constant 3 : i32
        %parallel_loop3A_266 = arith.index_cast %parallel_loop3A_265 : i32 to index
        %parallel_loop3A_267 = arith.index_cast %parallel_loop3A_264 : i32 to index
        %parallel_loop3A_268 = tpu.vector_load %arg6[%parallel_loop3A_266, %parallel_loop3A_267] {strides = array<i32>} : memref<4x8192xf32, #tpu.memory_space<vmem>>, vector<1x16xf32>,
        %parallel_loop3A_269 = vector.shape_cast %parallel_loop3A_268 : vector<1x16xf32> to vector<16xf32>
        %parallel_loop3A_270 = vector.shape_cast %parallel_loop3A_263 : vector<16xf32> to vector<1x16xf32>
        tpu.vector_store %arg6[%parallel_loop3A_266, %parallel_loop3A_267], %parallel_loop3A_270 {strides = array<i32>} : memref<4x8192xf32, #tpu.memory_space<vmem>>, vector<1x16xf32>,
      } {sc.loop_unroll_factor = 16 : i64, sc.parallel_access}
      %dma_start3A_208 = arith.constant 0 : i32
      %dma_start3A_209 = tpu.memref_slice %arg6[%dma_start3A_208, %mul3A_205] : memref<4x8192xf32, #tpu.memory_space<vmem>> -> memref<4x2048xf32, #tpu.memory_space<vmem>>
      %dma_start3A_210 = arith.constant 0 : i32
      %dma_start3A_211 = tpu.memref_slice %arg4[%add3A, %dma_start3A_210, %mul3A_205] : memref<32x4x8192xf32, #tpu.memory_space<hbm>> -> memref<1x4x2048xf32, #tpu.memory_space<hbm>>
      %dma_start3A_212 = tpu.memref_squeeze %dma_start3A_211 : memref<1x4x2048xf32, #tpu.memory_space<hbm>> -> memref<4x2048xf32, #tpu.memory_space<hbm>>
      %dma_start3A_213 = arith.constant 0 : i32
      %dma_start3A_214 = tpu.memref_slice %arg4[%add3A, %dma_start3A_213, %mul3A_205] : memref<32x4x8192xf32, #tpu.memory_space<hbm>> -> memref<1x4x2048xf32, #tpu.memory_space<hbm>>
      %dma_start3A_215 = tpu.memref_squeeze %dma_start3A_214 : memref<1x4x2048xf32, #tpu.memory_space<hbm>> -> memref<4x2048xf32, #tpu.memory_space<hbm>>
      %dma_start3A_216 = arith.constant 0 : i32
      %dma_start3A_217 = tpu.memref_slice %arg6[%dma_start3A_216, %mul3A_205] : memref<4x8192xf32, #tpu.memory_space<vmem>> -> memref<4x2048xf32, #tpu.memory_space<vmem>>
      tpu.enqueue_dma source(%dma_start3A_217 : memref<4x2048xf32, #tpu.memory_space<vmem>>) target(%dma_start3A_215 : memref<4x2048xf32, #tpu.memory_space<hbm>>) target_semaphore(%arg9 : memref<!tpu.dma_semaphore, #tpu.memory_space<semaphore_mem>>)
    }
    %scan3A_146 = arith.constant 4 : i32
    %dma_wait3A_147 = arith.constant 0 : i32
    %dma_wait3A_148 = arith.constant 0 : i32
    %dma_wait3A_149 = tpu.memref_slice %arg6[%dma_wait3A_147, %dma_wait3A_148] : memref<4x8192xf32, #tpu.memory_space<vmem>> -> memref<4x2048xf32, #tpu.memory_space<vmem>>
    %dma_wait3A_150 = arith.constant 0 : i32
    %dma_wait3A_151 = arith.constant 0 : i32
    %dma_wait3A_152 = tpu.memref_slice %arg4[%add3A, %dma_wait3A_150, %dma_wait3A_151] : memref<32x4x8192xf32, #tpu.memory_space<hbm>> -> memref<1x4x2048xf32, #tpu.memory_space<hbm>>
    %dma_wait3A_153 = tpu.memref_squeeze %dma_wait3A_152 : memref<1x4x2048xf32, #tpu.memory_space<hbm>> -> memref<4x2048xf32, #tpu.memory_space<hbm>>
    %dma_wait3A_154 = arith.constant 0 : i32
    %dma_wait3A_155 = arith.constant 0 : i32
    %dma_wait3A_156 = tpu.memref_slice %arg4[%add3A, %dma_wait3A_154, %dma_wait3A_155] : memref<32x4x8192xf32, #tpu.memory_space<hbm>> -> memref<1x4x2048xf32, #tpu.memory_space<hbm>>
    %dma_wait3A_157 = tpu.memref_squeeze %dma_wait3A_156 : memref<1x4x2048xf32, #tpu.memory_space<hbm>> -> memref<4x2048xf32, #tpu.memory_space<hbm>>
    %dma_wait3A_158 = arith.constant 0 : i32
    %dma_wait3A_159 = arith.constant 0 : i32
    %dma_wait3A_160 = tpu.memref_slice %arg6[%dma_wait3A_158, %dma_wait3A_159] : memref<4x8192xf32, #tpu.memory_space<vmem>> -> memref<4x2048xf32, #tpu.memory_space<vmem>>
    tpu.wait_dma2 semaphore(%arg9 : memref<!tpu.dma_semaphore, #tpu.memory_space<semaphore_mem>>) src(%dma_wait3A_160 : memref<4x2048xf32, #tpu.memory_space<vmem>>) dst(%dma_wait3A_157 : memref<4x2048xf32, #tpu.memory_space<hbm>>)
    %dma_wait3A_161 = arith.constant 0 : i32
    %dma_wait3A_162 = arith.constant 0 : i32
    %dma_wait3A_163 = tpu.memref_slice %arg6[%dma_wait3A_161, %dma_wait3A_162] : memref<4x8192xf32, #tpu.memory_space<vmem>> -> memref<4x2048xf32, #tpu.memory_space<vmem>>
    %dma_wait3A_164 = arith.constant 0 : i32
    %dma_wait3A_165 = arith.constant 0 : i32
    %dma_wait3A_166 = tpu.memref_slice %arg4[%add3A, %dma_wait3A_164, %dma_wait3A_165] : memref<32x4x8192xf32, #tpu.memory_space<hbm>> -> memref<1x4x2048xf32, #tpu.memory_space<hbm>>
    %dma_wait3A_167 = tpu.memref_squeeze %dma_wait3A_166 : memref<1x4x2048xf32, #tpu.memory_space<hbm>> -> memref<4x2048xf32, #tpu.memory_space<hbm>>
    %dma_wait3A_168 = arith.constant 0 : i32
    %dma_wait3A_169 = arith.constant 0 : i32
    %dma_wait3A_170 = tpu.memref_slice %arg4[%add3A, %dma_wait3A_168, %dma_wait3A_169] : memref<32x4x8192xf32, #tpu.memory_space<hbm>> -> memref<1x4x2048xf32, #tpu.memory_space<hbm>>
    %dma_wait3A_171 = tpu.memref_squeeze %dma_wait3A_170 : memref<1x4x2048xf32, #tpu.memory_space<hbm>> -> memref<4x2048xf32, #tpu.memory_space<hbm>>
    %dma_wait3A_172 = arith.constant 0 : i32
    %dma_wait3A_173 = arith.constant 0 : i32
    %dma_wait3A_174 = tpu.memref_slice %arg6[%dma_wait3A_172, %dma_wait3A_173] : memref<4x8192xf32, #tpu.memory_space<vmem>> -> memref<4x2048xf32, #tpu.memory_space<vmem>>
    tpu.wait_dma2 semaphore(%arg9 : memref<!tpu.dma_semaphore, #tpu.memory_space<semaphore_mem>>) src(%dma_wait3A_174 : memref<4x2048xf32, #tpu.memory_space<vmem>>) dst(%dma_wait3A_171 : memref<4x2048xf32, #tpu.memory_space<hbm>>)
    %dma_wait3A_175 = arith.constant 0 : i32
    %dma_wait3A_176 = arith.constant 0 : i32
    %dma_wait3A_177 = tpu.memref_slice %arg6[%dma_wait3A_175, %dma_wait3A_176] : memref<4x8192xf32, #tpu.memory_space<vmem>> -> memref<4x2048xf32, #tpu.memory_space<vmem>>
    %dma_wait3A_178 = arith.constant 0 : i32
    %dma_wait3A_179 = arith.constant 0 : i32
    %dma_wait3A_180 = tpu.memref_slice %arg4[%add3A, %dma_wait3A_178, %dma_wait3A_179] : memref<32x4x8192xf32, #tpu.memory_space<hbm>> -> memref<1x4x2048xf32, #tpu.memory_space<hbm>>
    %dma_wait3A_181 = tpu.memref_squeeze %dma_wait3A_180 : memref<1x4x2048xf32, #tpu.memory_space<hbm>> -> memref<4x2048xf32, #tpu.memory_space<hbm>>
    %dma_wait3A_182 = arith.constant 0 : i32
    %dma_wait3A_183 = arith.constant 0 : i32
    %dma_wait3A_184 = tpu.memref_slice %arg4[%add3A, %dma_wait3A_182, %dma_wait3A_183] : memref<32x4x8192xf32, #tpu.memory_space<hbm>> -> memref<1x4x2048xf32, #tpu.memory_space<hbm>>
    %dma_wait3A_185 = tpu.memref_squeeze %dma_wait3A_184 : memref<1x4x2048xf32, #tpu.memory_space<hbm>> -> memref<4x2048xf32, #tpu.memory_space<hbm>>
    %dma_wait3A_186 = arith.constant 0 : i32
    %dma_wait3A_187 = arith.constant 0 : i32
    %dma_wait3A_188 = tpu.memref_slice %arg6[%dma_wait3A_186, %dma_wait3A_187] : memref<4x8192xf32, #tpu.memory_space<vmem>> -> memref<4x2048xf32, #tpu.memory_space<vmem>>
    tpu.wait_dma2 semaphore(%arg9 : memref<!tpu.dma_semaphore, #tpu.memory_space<semaphore_mem>>) src(%dma_wait3A_188 : memref<4x2048xf32, #tpu.memory_space<vmem>>) dst(%dma_wait3A_185 : memref<4x2048xf32, #tpu.memory_space<hbm>>)
    %dma_wait3A_189 = arith.constant 0 : i32
    %dma_wait3A_190 = arith.constant 0 : i32
    %dma_wait3A_191 = tpu.memref_slice %arg6[%dma_wait3A_189, %dma_wait3A_190] : memref<4x8192xf32, #tpu.memory_space<vmem>> -> memref<4x2048xf32, #tpu.memory_space<vmem>>
    %dma_wait3A_192 = arith.constant 0 : i32
    %dma_wait3A_193 = arith.constant 0 : i32
    %dma_wait3A_194 = tpu.memref_slice %arg4[%add3A, %dma_wait3A_192, %dma_wait3A_193] : memref<32x4x8192xf32, #tpu.memory_space<hbm>> -> memref<1x4x2048xf32, #tpu.memory_space<hbm>>
    %dma_wait3A_195 = tpu.memref_squeeze %dma_wait3A_194 : memref<1x4x2048xf32, #tpu.memory_space<hbm>> -> memref<4x2048xf32, #tpu.memory_space<hbm>>
    %dma_wait3A_196 = arith.constant 0 : i32
    %dma_wait3A_197 = arith.constant 0 : i32
    %dma_wait3A_198 = tpu.memref_slice %arg4[%add3A, %dma_wait3A_196, %dma_wait3A_197] : memref<32x4x8192xf32, #tpu.memory_space<hbm>> -> memref<1x4x2048xf32, #tpu.memory_space<hbm>>
    %dma_wait3A_199 = tpu.memref_squeeze %dma_wait3A_198 : memref<1x4x2048xf32, #tpu.memory_space<hbm>> -> memref<4x2048xf32, #tpu.memory_space<hbm>>
    %dma_wait3A_200 = arith.constant 0 : i32
    %dma_wait3A_201 = arith.constant 0 : i32
    %dma_wait3A_202 = tpu.memref_slice %arg6[%dma_wait3A_200, %dma_wait3A_201] : memref<4x8192xf32, #tpu.memory_space<vmem>> -> memref<4x2048xf32, #tpu.memory_space<vmem>>
    tpu.wait_dma2 semaphore(%arg9 : memref<!tpu.dma_semaphore, #tpu.memory_space<semaphore_mem>>) src(%dma_wait3A_202 : memref<4x2048xf32, #tpu.memory_space<vmem>>) dst(%dma_wait3A_199 : memref<4x2048xf32, #tpu.memory_space<hbm>>)
    return
  }
}

</mosaic_0001>

<sc_bundles>
// kernel: kernel.3.cloned.1.call-start
scs
__scs_entry_jumppad:
0x0: {  	(pc) =	sbr.rel $0x88, $3  }
0x1: {  	(tag) =	ssettag $0x0;
	lr =	simm.s32 $0x1  }
0x2: {  	[smem:$0x3F9F] =	sst lr;
	_ =	strace $0xD0000000  }
0x3: {  	_ = 	snop  }
0x4: {  	_ = 	snop  }
0x5: {  	_ = 	snop  }
0x6: {  	_ = 	snop  }
0x7: {  	_ = 	snop  }
__scs_overlays_trampoline_lowered:
0x8: {  	[smem:$0x3FAE] =	sst s0  }
0x9: {  	[smem:$0x3FAF] =	sst s1  }
0xa: {  	[smem:$0x3FB0] =	sst s2  }
0xb: {  	[smem:$0x3FB1] =	sst s3  }
0xc: {  	[smem:$0x3FB2] =	sst s4  }
0xd: {  	[smem:$0x3FB3] =	sst s5  }
0xe: {  	[smem:$0x3FB4] =	sst s6  }
0xf: {  	[smem:$0x3FB5] =	sst s7  }
0x10: {  	[smem:$0x3FB6] =	sst s8  }
0x11: {  	[smem:$0x3FB7] =	sst s9;
	s0 =	simm.s32 @!p0 $0x0  }
0x12: {  	s1 =	sld [smem:$0x3F9D];
	s0 =	simm.s32 @p0 $0x1  }
0x13: {  	[smem:$0x3FB8] =	sst s0;
	s0 =	simm.s32 @!p1 $0x0  }
0x14: {  	s2 =	sld [smem:$0x3F9C];
	s0 =	simm.s32 @p1 $0x1  }
0x15: {  	[smem:$0x3FB9] =	sst s0;
	s0 =	simm.s32 @!p2 $0x0  }
0x16: {  	s3 =	sld [smem:$0x3FDB];
	s0 =	simm.s32 @p2 $0x1  }
0x17: {  	s4 =	simm.s32 $0x1BF5;
	[smem:$0x3FBB] =	sst s0  }
0x18: {  	s0 =	sld [smem:$0x3F9E];
	_ =	swait.ge [sflag:s4], $0x0  }
0x19: {  	s7 =	sld [smem:$0x3F9F]  }
0x1a: {  	s8 =	sadd.s32 $0xFFFFE003, lr  }
0x1b: {  	s9 =	sadd.s32 $0xFFFFFEF7, lr;
	s5 =	simm.s32 $0xFFFFFFFF;
	p2 =	slt.u32 s8, $0xFFFFF086  }
0x1c: {  	p1 =	slt.u32 s9, $0xF7A;
	s5 =	simm.s32 @!p2 $0x0  }
0x1d: {  	s5 =	simm.s32 @p1 $0x1;
	p0 =	seq.s32 s7, s2  }
0x1e: {  	s7 =	smul.u32 @!p0 $0xF7A, s2;
	p2 =	seq.s32 @!p0 s5, $0x0  }
0x1f: {  	s9 =	smul.u32 $0xF7A, s1;
	s8 =	simm.s32 @!p0 $0x1BF5;
	p2 =	por !p2, p0  }
0x20: {  	[sflag:s8] =	ssyncset.s32 @!p0 $0xFFFFF086;
	s6 =	sadd.s32 @!p0 s3, s7;
	s7 =	simm.s32 @!p0 $0x108  }
0x21: {  	s3 =	sadd.s32 s3, s9;
	s6 =	sadd.s32 @!p0 $0x88, s6;
	s7 =	simm.s32 @p2 $0x1082  }
0x22: {  	[simem:s7], [sflag:s8] =	dma.local @!p0 [hbm:s6], $0xF7A  }
0x23: {  	s9 =	sor.u32 $0xD0000000, s2;
	s6 =	simm.s32 $0x108;
	_ =	swait.ge @!p0 [sflag:s8], $0x0  }
0x24: {  	s3 =	sadd.s32 $0x88, s3;
	s6 =	simm.s32 @!p1 $0x1082;
	[sflag:s4] =	ssyncset.s32 $0xFFFFF086  }
0x25: {  	[simem:s6], [sflag:s4] =	dma.local [hbm:s3], $0xF7A  }
0x26: {  	[smem:$0x3F9F] =	sst s1;
	(tag) =	ssettag s2;
	_ =	strace s9  }
0x27: {  	s1 =	sld [smem:$0x3FAF]  }
0x28: {  	s2 =	sld [smem:$0x3FB0]  }
0x29: {  	s4 =	sld [smem:$0x3FB2]  }
0x2a: {  	p0 =	seq.s32 s5, $0x0;
	s5 =	sld [smem:$0x3FB3]  }
0x2b: {  	s6 =	sld [smem:$0x3FB4]  }
0x2c: {  	s7 =	sld [smem:$0x3FB5]  }
0x2d: {  	s3 =	simm.s32 $0x108;
	s8 =	sld [smem:$0x3FB6]  }
0x2e: {  	s3 =	simm.s32 @!p0 $0x1082;
	s9 =	sld [smem:$0x3FB7]  }
0x2f: {  	lr =	sadd.s32 s0, s3;
	s0 =	sld [smem:$0x3FAE]  }
0x30: {  	s3 =	sld [smem:$0x3FB1]  }
0x31: {  	[smem:$0x3FBA] =	sst s10  }
0x32: {  	s10 =	sld [smem:$0x3FB8];
	_ =	sdelay $0x3  }
0x33: {  	p0 =	seq.s32 s10, $0x1;
	s10 =	sld [smem:$0x3FBA];
	_ =	sdelay $0x3  }
0x34: {  	[smem:$0x3FBA] =	sst s10  }
0x35: {  	s10 =	sld [smem:$0x3FB9];
	_ =	sdelay $0x3  }
0x36: {  	p1 =	seq.s32 s10, $0x1;
	s10 =	sld [smem:$0x3FBA];
	_ =	sdelay $0x3  }
0x37: {  	[smem:$0x3FBA] =	sst s10  }
0x38: {  	s10 =	sld [smem:$0x3FBB]  }
0x39: {  	_ = 	snop;
	(pc) =	sbr.ind lr, $3  }
0x3a: {  	_ = 	snop  }
0x3b: {  	_ = 	snop  }
0x3c: {  	p2 =	seq.s32 s10, $0x1;
	s10 =	sld [smem:$0x3FBA]  }
0x3d: {  	_ =	shalt  }
0x3e: {  	_ =	shalt  }
0x3f: {  	_ =	shalt  }
0x40: {  	_ =	shalt  }
0x41: {  	_ =	shalt  }
0x42: {  	_ =	shalt  }
0x43: {  	_ =	shalt  }
0x44: {  	_ =	shalt  }
0x45: {  	_ =	shalt  }
0x46: {  	_ =	shalt  }
0x47: {  	_ =	shalt  }
0x48: {  	_ =	shalt  }
0x49: {  	_ =	shalt  }
0x4a: {  	_ =	shalt  }
0x4b: {  	_ =	shalt  }
0x4c: {  	_ =	shalt  }
0x4d: {  	_ =	shalt  }
0x4e: {  	_ =	shalt  }
0x4f: {  	_ =	shalt  }
0x50: {  	_ =	shalt  }
0x51: {  	_ =	shalt  }
0x52: {  	_ =	shalt  }
0x53: {  	_ =	shalt  }
0x54: {  	_ =	shalt  }
0x55: {  	_ =	shalt  }
0x56: {  	_ =	shalt  }
0x57: {  	_ =	shalt  }
0x58: {  	_ =	shalt  }
0x59: {  	_ =	shalt  }
0x5a: {  	_ =	shalt  }
0x5b: {  	_ =	shalt  }
0x5c: {  	_ =	shalt  }
0x5d: {  	_ =	shalt  }
0x5e: {  	_ =	shalt  }
0x5f: {  	_ =	shalt  }
0x60: {  	_ =	shalt  }
0x61: {  	_ =	shalt  }
0x62: {  	_ =	shalt  }
0x63: {  	_ =	shalt  }
0x64: {  	_ =	shalt  }
0x65: {  	_ =	shalt  }
0x66: {  	_ =	shalt  }
0x67: {  	_ =	shalt  }
0x68: {  	_ =	shalt  }
0x69: {  	_ =	shalt  }
0x6a: {  	_ =	shalt  }
0x6b: {  	_ =	shalt  }
0x6c: {  	_ =	shalt  }
0x6d: {  	_ =	shalt  }
0x6e: {  	_ =	shalt  }
0x6f: {  	_ =	shalt  }
0x70: {  	_ =	shalt  }
0x71: {  	_ =	shalt  }
0x72: {  	_ =	shalt  }
0x73: {  	_ =	shalt  }
0x74: {  	_ =	shalt  }
0x75: {  	_ =	shalt  }
0x76: {  	_ =	shalt  }
0x77: {  	_ =	shalt  }
0x78: {  	_ =	shalt  }
0x79: {  	_ =	shalt  }
0x7a: {  	_ =	shalt  }
0x7b: {  	_ =	shalt  }
0x7c: {  	_ =	shalt  }
0x7d: {  	_ =	shalt  }
0x7e: {  	_ =	shalt  }
0x7f: {  	_ =	shalt  }
0x80: {  	_ =	shalt  }
0x81: {  	_ =	shalt  }
0x82: {  	_ =	shalt  }
0x83: {  	_ =	shalt  }
0x84: {  	_ =	shalt  }
0x85: {  	_ =	shalt  }
0x86: {  	_ =	shalt  }
0x87: {  	_ =	shalt  }
.Lfunc_end0:
.L_simem_size_0:
called_computation_lowered:
.L_overlay_start_0:
0x88: {  	s2 =	sld [smem:$0x3FD9]  }
0x89: {  	s3 =	sld [smem:$0x3FFE];
	_ =	sdelay $0x1  }
0x8a: {  	s1 =	srdreg.scid  }
0x8b: {  	s0 =	sand.u32 $0x1, s1  }
0x8c: {  	s18 =	sshll.u32 s0, $0xA;
	s2 =	sadd.s32 s3, s2  }
0x8d: {  	s2 =	sadd.s32 s2, s18  }
0x8e: {  	[smem:$0x3FC6] =	sst s2  }
0x8f: {  	_ = 	snop  }
0x90: {  	s2 =	sld [smem:$0x3FC9]  }
0x91: {  	s19 =	sld [smem:$0x3FC8]  }
0x92: {  	s4 =	sld [smem:$0x3FD0];
	(tm) =	ssettm $0x1  }
0x93: {  	s5 =	sld [smem:$0x3FFB];
	_ =	sdelay $0x3  }
0x94: {  	_ =	strace s5  }
0x95: {  	s5 =	sld [smem:$0x3FFC];
	_ =	sdelay $0x3  }
0x96: {  	_ =	strace s5  }
0x97: {  	s5 =	sld [smem:$0x3FFD];
	_ =	sdelay $0x3  }
0x98: {  	_ =	strace s5  }
0x99: {  	_ =	strace $0x8FFFFFFF  }
0x9a: {  	s20 =	sld [smem:$0x3FDB];
	_ =	sdelay $0x1  }
0x9b: {  	s6 =	simm.s32 $_scs_section_size  }
0x9c: {  	s7 =	simm.s32 $_size__tile_overlayer_lowered;
	s8 =	simm.s32 $_tile_overlayer_lowered  }
0x9d: {  	s23 =	simm.s32 $0x1BFF;
	s22 =	sshll.u32 s8, $0x1;
	s5 =	sadd.s32 s6, s20  }
0x9e: {  	s9 =	simm.s32 $0x0;
	s21 =	sshll.u32 s7, $0x1;
	s7 =	sadd.s32 s22, s5  }
0x9f: {  	[timem:s9], [sflag:s23] =	dma.local [hbm:s7], s21  }
0xa0: {  	_ =	swait.ge [sflag:s23], s21  }
0xa1: {  	s6 =	ssub.s32 $0x0, s21;
	[sflag:s23] =	ssyncset.done $0x0  }
0xa2: {  	[sflag:s23] =	ssyncadd.s32 s6;
	_ =	sdelay $0x1  }
0xa3: {  	s24 =	simm.s32 $0x1B8B  }
0xa4: {  	_ =	swait.ge [sflag:s24], $0x1  }
0xa5: {  	[sflag:s24] =	ssyncset.done $0x0  }
0xa6: {  	s25 =	simm.s32 $0x1B8E;
	[sflag:s24] =	ssyncadd.s32 $0xFFFFFFFF  }
0xa7: {  	s26 =	simm.s32 $execute0_lowered;
	[smem:$0x3FD2] =	sst s25  }
0xa8: {  	s6 =	sshll.u32 s26, $0x1;
	_ =	strace $0x80000046;
	[dreg:$0x1] =	wrdreg $0xFFFFFFFF  }
0xa9: {  	s28 =	simm.s32 $_size_execute0_lowered;
	s5 =	sadd.s32 s5, s6;
	[dreg:$0x0] =	wrdreg $0x0  }
0xaa: {  	s6 =	sshll.u32 s28, $0x1;
	[dreg:$0x2] =	wrdreg s5  }
0xab: {  	[dreg:$0x3] =	wrdreg s6  }
0xac: {  	[dreg:$0x4] =	wrdreg $0xC0  }
0xad: {  	_ =	task [dreg:s9], $0x5FFFF  }
0xae: {  	[dreg:$0x1] =	wrdreg $0xFFFFFFFF  }
0xaf: {  	[dreg:$0x0] =	wrdreg $0x60  }
0xb0: {  	[dreg:$0x2] =	wrdreg s2  }
0xb1: {  	[dreg:$0x3] =	wrdreg s19  }
0xb2: {  	[dreg:$0x4] =	wrdreg s4  }
0xb3: {  	[dreg:$0x5] =	wrdreg $0x9  }
0xb4: {  	_ =	task.clear_ibuf [dreg:s9], $0x6FFFF;
	_ =	strace $0x90000046  }
0xb5: {  	s29 =	simm.s32 $0x9;
	_ =	strace $0x80000048  }
0xb6: {  	_ =	swait.ge [sflag:s29], $0x1  }
0xb7: {  	[sflag:s29] =	ssyncadd.s32 $0xFFFFFFFF  }
0xb8: {  	_ =	strace $0x90000048  }
0xb9: {  	_ =	sfence  }
0xba: {  	s30 =	sld [smem:$0x0];
	_ =	sdelay $0x2  }
0xbb: {  	s31 =	sshll.u32 s1, $0xD;
	s1 =	sshrl.u32 s1, $0x2  }
0xbc: {  	s3 =	sand.u32 $0x4000, s31;
	s1 =	sadd.s32 s1, s30  }
0xbd: {  	s0 =	sor.u32 s3, s0;
	s1 =	sshll.u32 s1, $0x11  }
0xbe: {  	s0 =	sor.u32 s1, s0  }
0xbf: {  	s0 =	sadd.s32 $0x8F2B, s0  }
0xc0: {  	[sflag:s0] =	ssyncadd.remote.s32 $0x1  }
0xc1: {  	_ =	sfence.sel $0xFFFF  }
0xc2: {  	[dreg:$0x0] =	wrdreg $0xFFFFFFFF;
	(pc) =	sbr.abs _section_cstart, $3  }
0xc3: {  	[dreg:$0x1] =	wrdreg $0xFFFFFFFF  }
0xc4: {  	_ =	task.clear_ibuf [dreg:s9], $0x2FFFF;
	_ =	strace $0x9FFFFFFF  }
0xc5: {  	(tm) =	ssettm $0x7FFFFFFF  }
tec
execute0_lowered:
.L_overlay_start_1:
0x0: {  	(tag) =	ssettag $0x1  }
0x1: {  	v0 =	vimm.s32 $0x8040201;
	v1 =	vimm.s32 $0x80000000;
	vm0 =	vcmask $0x300  }
0x2: {  	vm13 =	vcmask $0x704;
	vm1 =	vcmask $0xF00;
	v1 =	vsel vm0, $0x10000, v1  }
0x3: {  	vm14 =	vcmask $0xB08;
	v2 =	vimm.s32 $0x80402010;
	v1 =	vsel vm13, $0x20000, v1  }
0x4: {  	s5 =	rddreg [dreg:$0x0];
	vm15 =	vcmask $0xF0C;
	vm4 =	vcmask $0x1310;
	v1 =	vsel vm14, $0x40000, v1  }
0x5: {  	s0 =	rddreg [dreg:$0x1];
	vm5 =	vcmask $0x1714;
	vm6 =	vcmask $0x1B18;
	v1 =	vsel vm15, $0x80000, v1  }
0x6: {  	s2 =	rddreg [dreg:$0x2];
	v0 =	vunpack.c.0.s8.s32 v0;
	v2 =	vunpack.c.0.s8.s32 v2;
	v1 =	vsel vm4, $0x100000, v1  }
0x7: {  	s1 =	rddreg [dreg:$0x3];
	vm7 =	vcmask $0x1F10;
	vm8 =	vcmask $0x1F1C;
	v1 =	vsel vm5, $0x200000, v1  }
0x8: {  	s6 =	srdreg.scid;
	s3 =	stileid.u32;
	v0 =	vnsel vm1, $0x8000, v0;
	v2 =	vand.u32 $0xFF, v2;
	v1 =	vsel vm6, $0x400000, v1  }
0x9: {  	s4 =	simm.s32 $0x0;
	vm9 =	vcmask $0x2320;
	s11 =	simm.s32 $0x2;
	s12 =	simm.s32 $0x3;
	v0 =	vsel vm7, v2, v0;
	v1 =	vsel vm8, $0x800000, v1  }
0xa: {  	vm10 =	vcmask $0x2724;
	s13 =	simm.s32 $0x1;
	s14 =	simm.s32 $0x0;
	s6 =	sand.u32 $0x1, s6;
	v0 =	vsel vm9, $0x100, v0;
	v1 =	vsel vm9, $0x1000000, v1  }
0xb: {  	vm11 =	vcmask $0x2B28;
	s7 =	sshll.u32 s3, $0x1;
	[smem:$0x7FF] =	sst s4;
	s8 =	sshll.u32 s3, $0xB;
	v0 =	vsel vm10, $0x200, v0;
	v1 =	vsel vm10, $0x2000000, v1  }
0xc: {  	vm12 =	vcmask $0x2F2C;
	s7 =	sor.u32 s6, s7;
	s6 =	ssub.s32 $0x2, s6;
	s8 =	sand.u32 $0x6000, s8;
	v0 =	vsel vm11, $0x400, v0;
	v1 =	vsel vm11, $0x4000000, v1  }
0xd: {  	_ =	strace $0x80000047;
	vm13 =	vcmask $0x3330;
	s9 =	sshll.u32 s7, $0x4;
	s10 =	sshrl.u32 s6, $0x1;
	v0 =	vsel vm12, $0x800, v0;
	v1 =	vsel vm12, $0x8000000, v1  }
0xe: {  	s5 =	sadd.s32 s5, s8;
	s8 =	simm.s32 $0xA000;
	vm14 =	vcmask $0x3734;
	s9 =	sand.u32 $0x70, s9;
	v0 =	vsel vm13, $0x1000, v0;
	v1 =	vsel vm13, $0x10000000, v1  }
0xf: {  	s31 =	ssub.s32 s6, s10;
	s6 =	sshll.u32 s7, $0xF;
	s10 =	simm.s32 $0x400;
	vm15 =	vcmask $0x3B38;
	v0 =	vsel vm14, $0x2000, v0;
	v1 =	vsel vm14, $0x20000000, v1  }
0x10: {  	s5 =	sadd.s32 s9, s5;
	s7 =	smax.u32 s31, $0x1;
	s9 =	simm.s32 $0x80;
	v0 =	vsel vm15, $0x4000, v0;
	v1 =	vsel vm15, $0x40000000, v1  }
.LBB2_1:
0x11: {  	[tilespmem:s8], [sflag:$0x2] =	stream.linear.gather [hbm4b:s0+s4], $0x80, $0x38;
	[tilespmem:$0xA100] =	vst v63  }
0x12: {  	_ = 	snop  }
0x13: {  	[tilespmem:s4], [sflag:$0x3] =	stream.strided.gather [hbm4b:s5+s9], $0x2000, s10, s9, $0x38;
	[tilespmem:$0xA100] =	vst v63  }
0x14: {  	_ =	swait.ge [sflag:s11], $0x80  }
0x15: {  	[sflag:s11] =	ssyncset.done $0x0  }
0x16: {  	[sflag:s11] =	ssyncadd.s32 $0xFFFFFF80  }
0x17: {  	v2 =	vld [tilespmem:$0xA000];
	_ =	sdelay $0x4  }
0x18: {  	vm0 =	veq.s32 v2, $0x0;
	vm1 =	veq.s32 v2, $0x1  }
0x19: {  	v3 =	vnsel vm0, $0x0, v0;
	v4 =	vnsel vm1, $0x0, v1  }
0x1a: {  	v3 =	vor.u32 v4, v3  }
0x1b: {  	[tilespmem:$0xA080] =	vst v3  }
0x1c: {  	[tilespmem:$0xA090] =	vst v3  }
0x1d: {  	v4 =	vld [tilespmem:$0xA081];
	_ =	sdelay $0x4  }
0x1e: {  	v3 =	vor.u32 v4, v3  }
0x1f: {  	[tilespmem:$0xA080] =	vst v3  }
0x20: {  	[tilespmem:$0xA090] =	vst v3  }
0x21: {  	v4 =	vld [tilespmem:$0xA082];
	_ =	sdelay $0x4  }
0x22: {  	v3 =	vor.u32 v3, v4  }
0x23: {  	[tilespmem:$0xA080] =	vst v3  }
0x24: {  	[tilespmem:$0xA090] =	vst v3  }
0x25: {  	v4 =	vld [tilespmem:$0xA084];
	_ =	sdelay $0x4  }
0x26: {  	vm14 =	veq.s32 v2, $0x2;
	vm15 =	veq.s32 v2, $0x3;
	v3 =	vor.u32 v3, v4  }
0x27: {  	v2 =	vnsel vm14, $0x0, v0;
	v4 =	vnsel vm15, $0x0, v1;
	[tilespmem:$0xA080] =	vst v3  }
0x28: {  	[tilespmem:$0xA090] =	vst v3;
	v2 =	vor.u32 v4, v2  }
0x29: {  	v5 =	vld [tilespmem:$0xA088];
	[tilespmem:$0xA080] =	vst v2  }
0x2a: {  	[tilespmem:$0xA090] =	vst v2  }
0x2b: {  	v4 =	vld [tilespmem:$0xA081];
	_ =	sdelay $0x4  }
0x2c: {  	v2 =	vor.u32 v2, v4  }
0x2d: {  	[tilespmem:$0xA080] =	vst v2  }
0x2e: {  	[tilespmem:$0xA090] =	vst v2  }
0x2f: {  	v4 =	vld [tilespmem:$0xA082];
	_ =	sdelay $0x4  }
0x30: {  	v2 =	vor.u32 v2, v4  }
0x31: {  	[tilespmem:$0xA080] =	vst v2  }
0x32: {  	[tilespmem:$0xA090] =	vst v2  }
0x33: {  	v4 =	vld [tilespmem:$0xA084];
	_ =	sdelay $0x4  }
0x34: {  	v2 =	vor.u32 v2, v4  }
0x35: {  	[tilespmem:$0xA080] =	vst v2  }
0x36: {  	[tilespmem:$0xA090] =	vst v2  }
0x37: {  	v4 =	vld [tilespmem:$0xA088];
	_ =	sdelay $0x3  }
0x38: {  	v3 =	vor.u32 v3, v5;
	_ =	swait.ge [sflag:s12], $0x2000  }
0x39: {  	s15 =	simm.s32 $0x3C0;
	[sflag:s12] =	ssyncset.done $0x0;
	v5 =	vor.u32 v2, v4;
	v2 =	vand.u32 $0xFFFF, v3  }
0x3a: {  	s16 =	simm.s32 $0x2200;
	s17 =	simm.s32 $0x0;
	[sflag:s12] =	ssyncadd.s32 $0xFFFFE000;
	v3 =	vshrl.u32 v3, $0x10;
	v4 =	vand.u32 $0xFFFF, v5;
	v5 =	vshrl.u32 v5, $0x10  }
.LBB2_2:
0x3b: {  	s18 =	sshra.s32 s15, $0x2  }
0x3c: {  	v11 =	vld [tilespmem:s18+$0xFFFFFFA0]  }
0x3d: {  	v10 =	vld [tilespmem:s18+$0xFFFFFFB0]  }
0x3e: {  	v13 =	vld [tilespmem:s18+$0xFFFFFF80]  }
0x3f: {  	v15 =	vld [tilespmem:s18+$0xFFFFFF30]  }
0x40: {  	v16 =	vld [tilespmem:s18+$0xFFFFFF50]  }
0x41: {  	v6 =	vld [tilespmem:s18+$0xFFFFFF70]  }
0x42: {  	v12 =	vld [tilespmem:s18+$0xFFFFFF10]  }
0x43: {  	v17 =	vld [tilespmem:s18+$0xFFFFFFD0]  }
0x44: {  	v20 =	vld [tilespmem:s18+$0xFFFFFFE0]  }
0x45: {  	v24 =	vld [tilespmem:s18+$0xFFFFFF60];
	v18 =	vshrl.u32 v3, v13;
	v14 =	vshrl.u32 v4, v11;
	v19 =	vshrl.u32 v2, v15  }
0x46: {  	v21 =	vshrl.u32 v3, v15;
	v22 =	vshrl.u32 v4, v15;
	v23 =	vshrl.u32 v2, v16  }
0x47: {  	v7 =	vshrl.u32 v4, v6;
	v25 =	vshrl.u32 v4, v16;
	v26 =	vshrl.u32 v2, v13  }
0x48: {  	v8 =	vshrl.u32 v2, v6;
	v27 =	vshrl.u32 v4, v13;
	v28 =	vshrl.u32 v2, v10  }
0x49: {  	v9 =	vshrl.u32 v3, v12;
	v29 =	vshrl.u32 v4, v10;
	v30 =	vshrl.u32 v2, v17  }
0x4a: {  	v31 =	vshrl.u32 v3, v20;
	v32 =	vshrl.u32 v2, v24;
	v33 =	vshrl.u32 v3, v10  }
0x4b: {  	v34 =	vshrl.u32 v3, v24;
	v35 =	vshrl.u32 v3, v17;
	v36 =	vshrl.u32 v5, v17  }
0x4c: {  	v37 =	vshrl.u32 v3, v16;
	v10 =	vshrl.u32 v5, v10;
	v13 =	vshrl.u32 v5, v13  }
0x4d: {  	v16 =	vshrl.u32 v5, v16;
	v15 =	vshrl.u32 v5, v15;
	v17 =	vshrl.u32 v4, v17  }
0x4e: {  	v27 =	vand.u32 $0x1, v27;
	v30 =	vand.u32 $0x1, v30;
	v29 =	vand.u32 $0x1, v29  }
0x4f: {  	v25 =	vand.u32 $0x1, v25;
	v28 =	vand.u32 $0x1, v28;
	v27 =	vcvt.s32.f32 v27  }
0x50: {  	v32 =	vand.u32 $0x1, v32;
	v36 =	vand.u32 $0x1, v36;
	v28 =	vcvt.s32.f32 v28  }
0x51: {  	v31 =	vand.u32 $0x1, v31;
	v26 =	vand.u32 $0x1, v26;
	v29 =	vcvt.s32.f32 v29;
	[tilespmem:s16+$0xFFFFFF70] =	vst v27  }
0x52: {  	v18 =	vand.u32 $0x1, v18;
	v10 =	vand.u32 $0x1, v10;
	v26 =	vcvt.s32.f32 v26;
	[tilespmem:s16+$0x20] =	vst v28  }
0x53: {  	v13 =	vand.u32 $0x1, v13;
	v22 =	vand.u32 $0x1, v22;
	v18 =	vcvt.s32.f32 v18;
	[tilespmem:s16+$0x120] =	vst v29  }
0x54: {  	v17 =	vand.u32 $0x1, v17;
	v30 =	vcvt.s32.f32 v30;
	v22 =	vcvt.s32.f32 v22;
	[tilespmem:s16+$0xFFFFFE70] =	vst v26  }
0x55: {  	v23 =	vand.u32 $0x1, v23;
	v36 =	vcvt.s32.f32 v36;
	v17 =	vcvt.s32.f32 v17;
	[tilespmem:s16+$0xFFFFFEF0] =	vst v18  }
0x56: {  	s19 =	sadd.s32 $0xFFFFFE00, s15;
	v16 =	vand.u32 $0x1, v16;
	v13 =	vcvt.s32.f32 v13;
	v27 =	vcvt.s32.f32 v10;
	[tilespmem:s16+$0xFFFFFF20] =	vst v22  }
0x57: {  	s19 =	sor.u32 $0x1F0, s19;
	v10 =	vand.u32 $0x1, v37;
	v18 =	vand.u32 $0x1, v21;
	v21 =	vcvt.s32.f32 v23;
	[tilespmem:s16+$0x140] =	vst v17  }
0x58: {  	v15 =	vand.u32 $0x1, v15;
	v16 =	vcvt.s32.f32 v16;
	v10 =	vcvt.s32.f32 v10;
	[tilespmem:s19+$0x2000] =	vst v13  }
0x59: {  	v22 =	vld [tilespmem:s18+$0x0];
	v13 =	vcvt.s32.f32 v18;
	v18 =	vand.u32 $0x1, v19;
	v19 =	vand.u32 $0x1, v35;
	[tilespmem:s16+$0xFFFFFE40] =	vst v21  }
0x5a: {  	v14 =	vand.u32 $0x1, v14;
	v15 =	vcvt.s32.f32 v15;
	v19 =	vcvt.s32.f32 v19;
	[tilespmem:s16+$0xFFFFFEC0] =	vst v10  }
0x5b: {  	v23 =	vcvt.s32.f32 v32;
	v21 =	vand.u32 $0x1, v33;
	v10 =	vcvt.s32.f32 v18;
	[tilespmem:s16+$0xFFFFFEA0] =	vst v13  }
0x5c: {  	v18 =	vshrl.u32 v4, v24;
	v13 =	vcvt.s32.f32 v21;
	v21 =	vcvt.s32.f32 v31;
	[tilespmem:s16+$0xC0] =	vst v19  }
0x5d: {  	s24 =	sadd.s32 $0xFFFFFCC0, s15;
	v19 =	vcvt.s32.f32 v25;
	v18 =	vand.u32 $0x1, v18;
	v25 =	vshrl.u32 v4, v20;
	[tilespmem:s16+$0xFFFFFE20] =	vst v10  }
0x5e: {  	s20 =	sadd.s32 $0xFFFFFEC0, s15;
	s19 =	sor.u32 $0x1A0, s24;
	v10 =	vcvt.s32.f32 v18;
	v18 =	vshrl.u32 v2, v22;
	[tilespmem:s16+$0xA0] =	vst v13;
	v26 =	vshrl.u32 v3, v22  }
0x5f: {  	s25 =	sor.u32 $0x1A0, s20;
	[tilespmem:s19+$0x2000] =	vst v15;
	v15 =	vshrl.u32 v2, v20;
	v20 =	vshrl.u32 v5, v20;
	v18 =	vand.u32 $0x1, v18  }
0x60: {  	[tilespmem:s25+$0x2000] =	vst v27;
	v27 =	vshrl.u32 v4, v22;
	v22 =	vshrl.u32 v5, v22;
	v13 =	vand.u32 $0x1, v15  }
0x61: {  	[tilespmem:s16+$0xD0] =	vst v21;
	v21 =	vld [tilespmem:s18+$0xFFFFFF40];
	v15 =	vand.u32 $0x1, v25;
	v20 =	vand.u32 $0x1, v20;
	v25 =	vand.u32 $0x1, v34  }
0x62: {  	s26 =	sadd.s32 $0xFFFFFD40, s15;
	[tilespmem:s16+$0xFFFFFE50] =	vst v23;
	v17 =	vcvt.s32.f32 v18;
	v18 =	vand.u32 $0x1, v26;
	v13 =	vcvt.s32.f32 v13  }
0x63: {  	[tilespmem:s16+$0xFFFFFF40] =	vst v19;
	s19 =	sor.u32 $0x1C0, s26;
	v26 =	vand.u32 $0x1, v27;
	v25 =	vcvt.s32.f32 v25;
	v15 =	vcvt.s32.f32 v15  }
0x64: {  	v27 =	vld [tilespmem:s18+$0xFFFFFFC0];
	v22 =	vand.u32 $0x1, v22;
	[tilespmem:s19+$0x2000] =	vst v16;
	v26 =	vcvt.s32.f32 v26;
	v18 =	vcvt.s32.f32 v18  }
0x65: {  	v23 =	vshrl.u32 v5, v24;
	v20 =	vcvt.s32.f32 v20;
	v22 =	vcvt.s32.f32 v22;
	[tilespmem:s16+$0x70] =	vst v17  }
0x66: {  	[tilespmem:s16+$0x50] =	vst v13;
	v13 =	vshrl.u32 v2, v12;
	v24 =	vshrl.u32 v3, v21;
	v19 =	vshrl.u32 v4, v21  }
0x67: {  	[tilespmem:s16+$0xFFFFFED0] =	vst v25;
	v25 =	vshrl.u32 v2, v11;
	v17 =	vand.u32 $0x1, v13;
	v13 =	vand.u32 $0x1, v23  }
0x68: {  	s28 =	sadd.s32 $0xFFFFFF80, s15;
	[tilespmem:s16+$0x170] =	vst v26;
	v23 =	vshrl.u32 v2, v21;
	v21 =	vshrl.u32 v5, v21;
	v16 =	vand.u32 $0x1, v19  }
0x69: {  	s21 =	sor.u32 $0x150, s28;
	[tilespmem:s16+$0xF0] =	vst v18;
	v19 =	vshrl.u32 v5, v11;
	v11 =	vshrl.u32 v3, v11;
	v62 =	vshrl.u32 v2, v27  }
0x6a: {  	s19 =	sor.u32 $0x1D0, s28;
	v26 =	vld [tilespmem:s18+$0xFFFFFF90];
	[tilespmem:s21+$0x2000] =	vst v15;
	v18 =	vand.u32 $0x1, v21;
	v19 =	vand.u32 $0x1, v19;
	v15 =	vcvt.s32.f32 v16  }
0x6b: {  	v21 =	vand.u32 $0x1, v23;
	v23 =	vcvt.s32.f32 v14;
	[tilespmem:s19+$0x2000] =	vst v20;
	v20 =	vand.u32 $0x1, v24  }
0x6c: {  	s30 =	sor.u32 $0x1F0, s15;
	[tilespmem:s16+$0x40] =	vst v30;
	v11 =	vand.u32 $0x1, v11;
	v17 =	vcvt.s32.f32 v17;
	v16 =	vcvt.s32.f32 v18  }
0x6d: {  	[tilespmem:s30+$0x2000] =	vst v22;
	v18 =	vand.u32 $0x1, v62;
	v19 =	vcvt.s32.f32 v19;
	v11 =	vcvt.s32.f32 v11  }
0x6e: {  	v25 =	vand.u32 $0x1, v25;
	v20 =	vcvt.s32.f32 v20;
	v18 =	vcvt.s32.f32 v18;
	[tilespmem:s16+$0xFFFFFF30] =	vst v15  }
0x6f: {  	[tilespmem:s16+$0x110] =	vst v23;
	v23 =	vcvt.s32.f32 v21;
	v24 =	vshrl.u32 v2, v26;
	v14 =	vshrl.u32 v3, v26  }
0x70: {  	v22 =	vshrl.u32 v4, v26;
	v26 =	vshrl.u32 v5, v26;
	[tilespmem:s16+$0xFFFFFFB0] =	vst v16;
	v14 =	vand.u32 $0x1, v14  }
0x71: {  	v16 =	vand.u32 $0x1, v22;
	v22 =	vand.u32 $0x1, v26;
	[tilespmem:s16+$0x30] =	vst v18;
	v18 =	vld [tilespmem:s18+$0xFFFFFFF0];
	v15 =	vand.u32 $0x1, v24  }
0x72: {  	[tilespmem:s16+$0xFFFFFE30] =	vst v23;
	v23 =	vshrl.u32 v5, v12;
	v63 =	vcvt.s32.f32 v22;
	v22 =	vshrl.u32 v3, v27  }
0x73: {  	[tilespmem:s16+$0x190] =	vst v19;
	v14 =	vcvt.s32.f32 v14;
	v15 =	vcvt.s32.f32 v15;
	v19 =	vand.u32 $0x1, v22  }
0x74: {  	[tilespmem:s16+$0x90] =	vst v11;
	v26 =	vcvt.s32.f32 v16;
	v21 =	vcvt.s32.f32 v19;
	v19 =	vshrl.u32 v4, v27  }
0x75: {  	v11 =	vld [tilespmem:s18+$0xFFFFFF20];
	v16 =	vcvt.s32.f32 v25;
	v22 =	vshrl.u32 v5, v27;
	[tilespmem:s16+$0x0] =	vst v15;
	v15 =	vand.u32 $0x1, v19  }
0x76: {  	[tilespmem:s16+$0xFFFFFE00] =	vst v17;
	v24 =	vshrl.u32 v2, v18;
	v25 =	vshrl.u32 v3, v18;
	v19 =	vcvt.s32.f32 v15  }
0x77: {  	s29 =	sadd.s32 $0xFFFFFF40, s15;
	[tilespmem:s16+$0xFFFFFEB0] =	vst v20;
	v17 =	vand.u32 $0x1, v24;
	v24 =	vshrl.u32 v4, v18;
	v18 =	vshrl.u32 v5, v18  }
0x78: {  	s20 =	sor.u32 $0x1C0, s29;
	[tilespmem:s16+$0x100] =	vst v26;
	v25 =	vand.u32 $0x1, v25;
	v26 =	vand.u32 $0x1, v24;
	v20 =	vcvt.s32.f32 v17  }
0x79: {  	s31 =	sadd.s32 $0xFFFFFD80, s15;
	[tilespmem:s20+$0x2000] =	vst v36;
	v15 =	vand.u32 $0x1, v18;
	v17 =	vand.u32 $0x1, v22;
	v24 =	vcvt.s32.f32 v25  }
0x7a: {  	s22 =	sadd.s32 $0x400, s15;
	s23 =	smov.u32 s16;
	s20 =	sor.u32 $0x150, s31;
	[tilespmem:s16+$0xB0] =	vst v21;
	v22 =	vshrl.u32 v2, v11;
	v21 =	vcvt.s32.f32 v15;
	v15 =	vshrl.u32 v4, v12  }
0x7b: {  	s21 =	simm.s32 $0x0;
	s19 =	smov.u32 s16;
	s18 =	sor.u32 $0x1D0, s31;
	[tilespmem:s16+$0x180] =	vst v63;
	v18 =	vcvt.s32.f32 v17;
	v17 =	vcvt.s32.f32 v26;
	v15 =	vand.u32 $0x1, v15  }
.LBB2_3:
0x7c: {  	s24 =	sshra.s32 s22, $0x2;
	s21 =	sadd.s32 $0x100, s21;
	v9 =	vand.u32 $0x1, v9;
	v12 =	vshrl.u32 v3, v11;
	v25 =	vshrl.u32 v4, v11;
	[tilespmem:s19+$0x80] =	vst v14;
	s23 =	sadd.s32 $0x400, s23  }
0x7d: {  	v14 =	vld [tilespmem:s24+$0xFFFFFFA0];
	p0 =	slt.u32 s21, $0x700;
	v9 =	vcvt.s32.f32 v9;
	v12 =	vand.u32 $0x1, v12;
	v25 =	vand.u32 $0x1, v25;
	[tilespmem:s19+$0xE0] =	vst v24  }
0x7e: {  	v11 =	vshrl.u32 v5, v11;
	v24 =	vld [tilespmem:s24+$0xFFFFFFB0];
	v12 =	vcvt.s32.f32 v12;
	v25 =	vcvt.s32.f32 v25;
	[tilespmem:s19+$0x1E0] =	vst v21  }
0x7f: {  	v8 =	vand.u32 $0x1, v8;
	v26 =	vld [tilespmem:s24+$0xFFFFFF80];
	[tilespmem:s19+$0xFFFFFE80] =	vst v9;
	v9 =	vand.u32 $0x1, v11;
	v11 =	vshrl.u32 v3, v6  }
0x80: {  	v28 =	vcvt.s32.f32 v13;
	v27 =	vld [tilespmem:s24+$0xFFFFFF50];
	[tilespmem:s19+$0xFFFFFE90] =	vst v12;
	v9 =	vcvt.s32.f32 v9;
	v11 =	vand.u32 $0x1, v11  }
0x81: {  	v7 =	vand.u32 $0x1, v7;
	v8 =	vcvt.s32.f32 v8;
	v21 =	vld [tilespmem:s24+$0xFFFFFF30];
	[tilespmem:s19+$0xFFFFFF10] =	vst v25;
	v11 =	vcvt.s32.f32 v11  }
0x82: {  	[tilespmem:s19+$0xFFFFFF90] =	vst v9;
	v9 =	vcvt.s32.f32 v7;
	v7 =	vshrl.u32 v5, v6;
	v6 =	vld [tilespmem:s24+$0xFFFFFF70]  }
0x83: {  	v12 =	vld [tilespmem:s24+$0xFFFFFF10];
	[tilespmem:s19+$0xFFFFFEE0] =	vst v11;
	v7 =	vand.u32 $0x1, v7  }
0x84: {  	v29 =	vcvt.s32.f32 v15;
	v11 =	vld [tilespmem:s24+$0xFFFFFF20];
	v25 =	vshrl.u32 v3, v26;
	[tilespmem:s19+$0xFFFFFE60] =	vst v8;
	v7 =	vcvt.s32.f32 v7  }
0x85: {  	v22 =	vand.u32 $0x1, v22;
	v15 =	vshrl.u32 v4, v14;
	v8 =	vand.u32 $0x1, v23;
	v30 =	vld [tilespmem:s24+$0xFFFFFFD0];
	[tilespmem:s19+$0x60] =	vst v20  }
0x86: {  	v32 =	vcvt.s32.f32 v8;
	v23 =	vshrl.u32 v2, v21;
	v31 =	vshrl.u32 v3, v21;
	v20 =	vld [tilespmem:s24+$0xFFFFFFE0];
	[tilespmem:s19+$0xFFFFFFE0] =	vst v7  }
0x87: {  	v34 =	vshrl.u32 v2, v27;
	v33 =	vshrl.u32 v4, v21;
	v13 =	vld [tilespmem:s24+$0xFFFFFF60];
	v7 =	vshrl.u32 v4, v6;
	[tilespmem:s19+$0x10] =	vst v16  }
0x88: {  	v22 =	vcvt.s32.f32 v22;
	v35 =	vshrl.u32 v2, v26;
	v16 =	vshrl.u32 v4, v27;
	[tilespmem:s20+$0x2000] =	vst v10  }
0x89: {  	v36 =	vshrl.u32 v2, v24;
	v8 =	vshrl.u32 v2, v6;
	v10 =	vshrl.u32 v4, v26;
	[tilespmem:s19+$0xFFFFFF60] =	vst v9  }
0x8a: {  	s25 =	sadd.s32 $0xFFFFFD80, s22;
	v37 =	vshrl.u32 v4, v24;
	v9 =	vshrl.u32 v3, v12;
	v38 =	vshrl.u32 v2, v30;
	[tilespmem:s19+$0x130] =	vst v19  }
0x8b: {  	s20 =	sor.u32 $0x150, s25;
	v10 =	vand.u32 $0x1, v10;
	v19 =	vand.u32 $0x1, v38;
	v38 =	vshrl.u32 v3, v20;
	[tilespmem:s19+$0xFFFFFF00] =	vst v29  }
0x8c: {  	v39 =	vshrl.u32 v3, v24;
	v37 =	vand.u32 $0x1, v37;
	s25 =	sor.u32 $0x1D0, s25;
	v29 =	vshrl.u32 v2, v13;
	[tilespmem:s19+$0xFFFFFF80] =	vst v32  }
0x8d: {  	v40 =	vshrl.u32 v3, v30;
	v32 =	vshrl.u32 v3, v13;
	v19 =	vcvt.s32.f32 v19;
	[tilespmem:s19+$0x1B0] =	vst v18  }
0x8e: {  	v18 =	vand.u32 $0x1, v16;
	v29 =	vand.u32 $0x1, v29;
	v16 =	vshrl.u32 v5, v30;
	[tilespmem:s19+$0xFFFFFE10] =	vst v22  }
0x8f: {  	v22 =	vcvt.s32.f32 v37;
	v16 =	vand.u32 $0x1, v16;
	v37 =	vand.u32 $0x1, v38;
	[tilespmem:s18+$0x2000] =	vst v28;
	s18 =	smov.u32 s25  }
0x90: {  	v10 =	vcvt.s32.f32 v10;
	v28 =	vand.u32 $0x1, v36;
	s25 =	sadd.s32 $0xFFFFFF40, s22;
	v16 =	vcvt.s32.f32 v16;
	[tilespmem:s19+$0x160] =	vst v17;
	s19 =	smov.u32 s23  }
0x91: {  	v24 =	vshrl.u32 v5, v24;
	v17 =	vshrl.u32 v3, v27;
	v28 =	vcvt.s32.f32 v28;
	s25 =	sor.u32 $0x1C0, s25;
	[tilespmem:s23+$0x40] =	vst v19  }
0x92: {  	v25 =	vand.u32 $0x1, v25;
	v19 =	vand.u32 $0x1, v35;
	[tilespmem:s23+$0xFFFFFF70] =	vst v10;
	v10 =	vand.u32 $0x1, v24  }
0x93: {  	s26 =	sadd.s32 $0xFFFFFEC0, s22;
	v19 =	vcvt.s32.f32 v19;
	v24 =	vshrl.u32 v5, v26;
	[tilespmem:s23+$0x20] =	vst v28;
	v26 =	vcvt.s32.f32 v10  }
0x94: {  	s26 =	sor.u32 $0x1A0, s26;
	v10 =	vand.u32 $0x1, v17;
	v17 =	vcvt.s32.f32 v25;
	v24 =	vand.u32 $0x1, v24;
	[tilespmem:s23+$0x120] =	vst v22  }
0x95: {  	s28 =	sadd.s32 $0xFFFFFE00, s22;
	v22 =	vand.u32 $0x1, v33;
	v10 =	vcvt.s32.f32 v10;
	[tilespmem:s23+$0xFFFFFE70] =	vst v19;
	v19 =	vcvt.s32.f32 v24  }
0x96: {  	s28 =	sor.u32 $0x1F0, s28;
	v25 =	vshrl.u32 v5, v27;
	v22 =	vcvt.s32.f32 v22;
	v24 =	vand.u32 $0x1, v34;
	[tilespmem:s23+$0xFFFFFEF0] =	vst v17  }
0x97: {  	v25 =	vand.u32 $0x1, v25;
	v17 =	vand.u32 $0x1, v31;
	v24 =	vcvt.s32.f32 v24;
	[tilespmem:s28+$0x2000] =	vst v19  }
0x98: {  	v17 =	vcvt.s32.f32 v17;
	v19 =	vshrl.u32 v5, v21;
	v21 =	vcvt.s32.f32 v25;
	[tilespmem:s23+$0xFFFFFF20] =	vst v22  }
0x99: {  	v22 =	vand.u32 $0x1, v23;
	v19 =	vand.u32 $0x1, v19;
	[tilespmem:s23+$0xFFFFFEC0] =	vst v10;
	v10 =	vand.u32 $0x1, v40;
	v23 =	vld [tilespmem:s24+$0x0]  }
0x9a: {  	v22 =	vcvt.s32.f32 v22;
	[tilespmem:s23+$0xFFFFFE40] =	vst v24;
	v24 =	vshrl.u32 v4, v13;
	v10 =	vcvt.s32.f32 v10  }
0x9b: {  	v25 =	vshrl.u32 v4, v30;
	[tilespmem:s23+$0xFFFFFEA0] =	vst v17;
	v17 =	vcvt.s32.f32 v19;
	v19 =	vand.u32 $0x1, v39  }
0x9c: {  	s28 =	sadd.s32 $0xFFFFFCC0, s22;
	v19 =	vcvt.s32.f32 v19;
	[tilespmem:s23+$0xC0] =	vst v10;
	v10 =	vand.u32 $0x1, v25;
	v25 =	vcvt.s32.f32 v37  }
0x9d: {  	v18 =	vcvt.s32.f32 v18;
	s28 =	sor.u32 $0x1A0, s28;
	[tilespmem:s23+$0xFFFFFE20] =	vst v22;
	v22 =	vand.u32 $0x1, v24;
	v24 =	vcvt.s32.f32 v10  }
0x9e: {  	[tilespmem:s28+$0x2000] =	vst v17;
	v17 =	vcvt.s32.f32 v29;
	v10 =	vcvt.s32.f32 v22;
	v22 =	vshrl.u32 v2, v23  }
0x9f: {  	v27 =	vshrl.u32 v4, v20;
	[tilespmem:s23+$0xA0] =	vst v19;
	v19 =	vshrl.u32 v2, v20;
	v20 =	vshrl.u32 v5, v20  }
0xa0: {  	[tilespmem:s26+$0x2000] =	vst v26;
	v19 =	vand.u32 $0x1, v19;
	v26 =	vand.u32 $0x1, v27;
	v20 =	vand.u32 $0x1, v20  }
0xa1: {  	v22 =	vand.u32 $0x1, v22;
	v27 =	vand.u32 $0x1, v32;
	v19 =	vcvt.s32.f32 v19;
	[tilespmem:s23+$0xD0] =	vst v25  }
0xa2: {  	v28 =	vshrl.u32 v4, v23;
	v27 =	vcvt.s32.f32 v27;
	v25 =	vld [tilespmem:s24+$0xFFFFFF40];
	[tilespmem:s23+$0x140] =	vst v24;
	v24 =	vshrl.u32 v3, v23  }
0xa3: {  	[tilespmem:s23+$0x50] =	vst v19;
	v19 =	vcvt.s32.f32 v22;
	v22 =	vand.u32 $0x1, v24;
	v24 =	vand.u32 $0x1, v28  }
0xa4: {  	v26 =	vcvt.s32.f32 v26;
	v23 =	vshrl.u32 v5, v23;
	[tilespmem:s23+$0xFFFFFE50] =	vst v17;
	v17 =	vld [tilespmem:s24+$0xFFFFFFC0];
	v24 =	vcvt.s32.f32 v24  }
0xa5: {  	v13 =	vshrl.u32 v5, v13;
	v28 =	vshrl.u32 v2, v12;
	[tilespmem:s23+$0x70] =	vst v19;
	v19 =	vcvt.s32.f32 v22  }
0xa6: {  	v13 =	vand.u32 $0x1, v13;
	s26 =	sadd.s32 $0xFFFFFD40, s22;
	v20 =	vcvt.s32.f32 v20;
	v22 =	vand.u32 $0x1, v28;
	[tilespmem:s23+$0x170] =	vst v24  }
0xa7: {  	s26 =	sor.u32 $0x1C0, s26;
	v24 =	vshrl.u32 v2, v25;
	v28 =	vshrl.u32 v3, v25;
	[tilespmem:s23+$0xFFFFFF40] =	vst v18;
	v18 =	vand.u32 $0x1, v23  }
0xa8: {  	v23 =	vshrl.u32 v4, v25;
	v25 =	vshrl.u32 v5, v25;
	[tilespmem:s26+$0x2000] =	vst v21;
	v21 =	vld [tilespmem:s24+$0xFFFFFF90];
	s26 =	sadd.s32 $0xFFFFFF80, s22;
	v18 =	vcvt.s32.f32 v18  }
0xa9: {  	v29 =	vshrl.u32 v5, v14;
	v23 =	vand.u32 $0x1, v23;
	v30 =	vshrl.u32 v2, v17;
	s28 =	sor.u32 $0x150, s26;
	[tilespmem:s23+$0xF0] =	vst v19  }
0xaa: {  	v15 =	vand.u32 $0x1, v15;
	v19 =	vand.u32 $0x1, v25;
	v25 =	vand.u32 $0x1, v29;
	[tilespmem:s28+$0x2000] =	vst v26  }
0xab: {  	v23 =	vcvt.s32.f32 v23;
	v19 =	vcvt.s32.f32 v19;
	v26 =	vand.u32 $0x1, v30;
	[tilespmem:s25+$0x2000] =	vst v16;
	s25 =	sor.u32 $0x1D0, s26  }
0xac: {  	v15 =	vcvt.s32.f32 v15;
	v24 =	vand.u32 $0x1, v24;
	v16 =	vcvt.s32.f32 v26;
	[tilespmem:s25+$0x2000] =	vst v20;
	s25 =	sor.u32 $0x1F0, s22  }
0xad: {  	v25 =	vcvt.s32.f32 v25;
	v20 =	vand.u32 $0x1, v28;
	v26 =	vshrl.u32 v2, v21;
	[tilespmem:s25+$0x2000] =	vst v18  }
0xae: {  	v18 =	vshrl.u32 v3, v21;
	v28 =	vshrl.u32 v4, v21;
	v21 =	vshrl.u32 v5, v21  }
0xaf: {  	v29 =	vshrl.u32 v3, v14;
	v18 =	vand.u32 $0x1, v18;
	[tilespmem:s23+$0xFFFFFED0] =	vst v27;
	v27 =	vshrl.u32 v2, v14  }
0xb0: {  	v21 =	vand.u32 $0x1, v21;
	[tilespmem:s23+$0xFFFFFFB0] =	vst v19;
	v19 =	vand.u32 $0x1, v28;
	v27 =	vand.u32 $0x1, v27  }
0xb1: {  	v14 =	vcvt.s32.f32 v18;
	v18 =	vcvt.s32.f32 v19;
	v19 =	vand.u32 $0x1, v29;
	[tilespmem:s23+$0x30] =	vst v16;
	v28 =	vld [tilespmem:s24+$0xFFFFFFF0]  }
0xb2: {  	v16 =	vand.u32 $0x1, v26;
	v26 =	vcvt.s32.f32 v21;
	[tilespmem:s23+$0xFFFFFF30] =	vst v23;
	v19 =	vcvt.s32.f32 v19  }
0xb3: {  	v21 =	vcvt.s32.f32 v16;
	v16 =	vcvt.s32.f32 v27;
	[tilespmem:s23+$0x110] =	vst v15;
	v15 =	vshrl.u32 v3, v17  }
0xb4: {  	v20 =	vcvt.s32.f32 v20;
	v23 =	vcvt.s32.f32 v24;
	[tilespmem:s23+$0x190] =	vst v25;
	v15 =	vand.u32 $0x1, v15  }
0xb5: {  	v22 =	vcvt.s32.f32 v22;
	[tilespmem:s23+$0x100] =	vst v18;
	v15 =	vcvt.s32.f32 v15;
	v18 =	vshrl.u32 v5, v17  }
0xb6: {  	v17 =	vshrl.u32 v4, v17;
	[tilespmem:s23+$0x90] =	vst v19;
	v19 =	vshrl.u32 v2, v28;
	v24 =	vshrl.u32 v3, v28  }
0xb7: {  	v25 =	vshrl.u32 v5, v28;
	[tilespmem:s23+$0xFFFFFE00] =	vst v22;
	v22 =	vand.u32 $0x1, v19;
	v19 =	vshrl.u32 v4, v28  }
.Ltmp0:
0xb8: {  	v17 =	vand.u32 $0x1, v17;
	[tilespmem:s23+$0x0] =	vst v21;
	v21 =	vand.u32 $0x1, v24;
	v27 =	vand.u32 $0x1, v19;
	(pc) =	sbr.rel @p0 .LBB2_3-.Ltmp0, $4  }
0xb9: {  	v19 =	vcvt.s32.f32 v17;
	v17 =	vand.u32 $0x1, v25;
	[tilespmem:s23+$0xFFFFFEB0] =	vst v20;
	v20 =	vcvt.s32.f32 v22  }
0xba: {  	v24 =	vcvt.s32.f32 v21;
	v21 =	vcvt.s32.f32 v17;
	[tilespmem:s23+$0xB0] =	vst v15;
	v15 =	vand.u32 $0x1, v18  }
0xbb: {  	v22 =	vshrl.u32 v4, v12;
	v17 =	vcvt.s32.f32 v27;
	[tilespmem:s23+$0xFFFFFE30] =	vst v23;
	v18 =	vcvt.s32.f32 v15  }
0xbc: {  	s22 =	sadd.s32 $0x400, s22;
	v15 =	vand.u32 $0x1, v22;
	v23 =	vshrl.u32 v5, v12;
	v22 =	vshrl.u32 v2, v11;
	[tilespmem:s23+$0x180] =	vst v26  }
0xbd: {  	[tilespmem:s19+$0x80] =	vst v14  }
0xbe: {  	[tilespmem:s19+$0xE0] =	vst v24  }
0xbf: {  	[tilespmem:s19+$0x1E0] =	vst v21  }
0xc0: {  	[tilespmem:s19+$0x60] =	vst v20  }
0xc1: {  	[tilespmem:s19+$0x10] =	vst v16  }
0xc2: {  	[tilespmem:s20+$0x2000] =	vst v10  }
0xc3: {  	v9 =	vand.u32 $0x1, v9;
	v12 =	vshrl.u32 v3, v11;
	[tilespmem:s19+$0x130] =	vst v19  }
0xc4: {  	v58 =	vshrl.u32 v4, v11;
	v8 =	vand.u32 $0x1, v8;
	[tilespmem:s19+$0x1B0] =	vst v18;
	v9 =	vcvt.s32.f32 v9  }
0xc5: {  	v59 =	vshrl.u32 v5, v11;
	[tilespmem:s19+$0x160] =	vst v17;
	v12 =	vand.u32 $0x1, v12;
	v8 =	vcvt.s32.f32 v8  }
0xc6: {  	v61 =	vshrl.u32 v3, v6;
	v14 =	vand.u32 $0x1, v58;
	v12 =	vcvt.s32.f32 v12;
	[tilespmem:s19+$0xFFFFFE80] =	vst v9  }
0xc7: {  	v6 =	vshrl.u32 v5, v6;
	v11 =	vand.u32 $0x1, v61;
	v14 =	vcvt.s32.f32 v14;
	[tilespmem:s19+$0xFFFFFE60] =	vst v8  }
0xc8: {  	v6 =	vand.u32 $0x1, v6;
	v11 =	vcvt.s32.f32 v11;
	[tilespmem:s19+$0xFFFFFE90] =	vst v12  }
0xc9: {  	v60 =	vand.u32 $0x1, v59;
	v6 =	vcvt.s32.f32 v6;
	[tilespmem:s19+$0xFFFFFF10] =	vst v14  }
0xca: {  	v7 =	vand.u32 $0x1, v7;
	v9 =	vcvt.s32.f32 v60;
	[tilespmem:s19+$0xFFFFFEE0] =	vst v11  }
0xcb: {  	[tilespmem:s19+$0xFFFFFFE0] =	vst v6;
	v6 =	vcvt.s32.f32 v7  }
0xcc: {  	v62 =	vand.u32 $0x1, v23;
	s29 =	sshll.u32 s17, $0xD;
	s17 =	sadd.s32 $0x1, s17;
	v7 =	vcvt.s32.f32 v15;
	[tilespmem:s19+$0xFFFFFF90] =	vst v9  }
0xcd: {  	p0 =	sne.s32 s17, $0x4;
	[tilespmem:s19+$0xFFFFFF60] =	vst v6;
	v6 =	vcvt.s32.f32 v62  }
.Ltmp1:
0xce: {  	v63 =	vand.u32 $0x1, v22;
	[tilespmem:s19+$0xFFFFFF00] =	vst v7;
	v7 =	vcvt.s32.f32 v13;
	(pc) =	sbr.rel @p0 .LBB2_2-.Ltmp1, $4  }
0xcf: {  	s30 =	sadd.s32 s6, s29;
	[tilespmem:s19+$0xFFFFFF80] =	vst v6;
	v6 =	vcvt.s32.f32 v63  }
0xd0: {  	s15 =	sadd.s32 $0x2000, s15;
	[tilespmem:s18+$0x2000] =	vst v7;
	s18 =	sshrl.u32 s30, $0x3  }
0xd1: {  	s16 =	sadd.s32 $0x2000, s16;
	s31 =	sadd.s32 $0x2000, s29;
	s18 =	sadd.s32 s2, s18;
	[tilespmem:s19+$0xFFFFFE10] =	vst v6  }
0xd2: {  	[hbm4b:s18+s4] =	stream.linear.scatter [tilespmem:s31], [sflag:$0x1], $0x2000, $0x38;
	[tilespmem:$0xA100] =	vst v63  }
0xd3: {  	_ =	swait.ge [sflag:s13], $0x2000  }
0xd4: {  	[sflag:s13] =	ssyncset.done $0x0  }
0xd5: {  	[sflag:s13] =	ssyncadd.s32 $0xFFFFE000  }
0xd6: {  	_ =	swait.ge [sflag:s13], $0x2000  }
0xd7: {  	[sflag:s13] =	ssyncset.done $0x0  }
0xd8: {  	s14 =	sadd.s32 $0x1, s14;
	[sflag:s13] =	ssyncadd.s32 $0xFFFFE000  }
0xd9: {  	p0 =	sne.s32 s14, s7;
	_ =	swait.ge [sflag:s13], $0x2000  }
.Ltmp2:
0xda: {  	[sflag:s13] =	ssyncset.done $0x0;
	(pc) =	sbr.rel @p0 .LBB2_1-.Ltmp2, $4  }
0xdb: {  	[sflag:s13] =	ssyncadd.s32 $0xFFFFE000  }
0xdc: {  	_ =	swait.ge [sflag:s13], $0x2000  }
0xdd: {  	[sflag:s13] =	ssyncset.done $0x0  }
0xde: {  	[sflag:s13] =	ssyncadd.s32 $0xFFFFE000  }
0xdf: {  	_ =	sfence.sel $0x180000  }
0xe0: {  	[bflag:$0x0] =	sbarrier.arrive $0xFFFF  }
0xe1: {  	p0 =	sne.s32 s3, $0x0;
	_ =	strace $0x90000047  }
0xe2: {  	s0 =	sadd.s32 @!p0 $0x100000, s1;
	[bflag:$0x2] =	sbarrier.arrive $0xFFFF  }
0xe3: {  	[sflag:s0] =	ssyncadd.tile.s32 @!p0 $0x1;
	_ =	shalt  }
.Lfunc_end2:
_tile_overlayer_lowered:
.L_overlay_start_2:
0xe4: {  	(tag) =	ssettag $0x2  }
0xe5: {  	s0 =	rddreg [dreg:$0x0];
	s2 =	stileid.u32  }
0xe6: {  	s1 =	rddreg [dreg:$0x1];
	p0 =	sne.s32 s2, $0x0  }
0xe7: {  	s3 =	rddreg [dreg:$0x2];
	[bflag:$0x3] =	sbarrier.arrive $0xFFFF;
	s2 =	simm.s32 @!p0 $0x1C04  }
0xe8: {  	[timem:s3], [sflag:s2] =	dma.local @!p0 [hbm:s0], s1  }
0xe9: {  	s0 =	simm.s32 @!p0 $0x4  }
0xea: {  	_ =	swait.ge @!p0 [sflag:s0], s1  }
0xeb: {  	s1 =	ssub.s32 @!p0 $0x0, s1;
	[sflag:s0] =	ssyncset.done @!p0 $0x0  }
0xec: {  	[sflag:s0] =	ssyncadd.s32 @!p0 s1  }
0xed: {  	[bflag:$0x3] =	sbarrier.arrive $0xFFFF  }
0xee: {  	_ =	shalt  }

</sc_bundles>
